<compile_context>
chip_gen: v7x
topology: tpu7x:2x2x1
jax: 0.10.2.dev20260603
libtpu: 0.0.44.dev20260713+nightly
codegen_flags: <defaults>
</compile_context>

<pallas_src>
import functools

import jax
import jax.numpy as jnp
from jax import lax
from jax.experimental import pallas as pl
from jax.experimental.pallas import tpu as pltpu
from jax.experimental.pallas import tpu_sc as plsc

N = 10000
E = 320000
D = 128

NC = 2
NS = 16
NW = NC * NS

CHUNK = 128
NCH = 79
E_PAD = NW * NCH * CHUNK
EPT = E_PAD // NW

N_PAD = 10240

_mesh = plsc.VectorSubcoreMesh(core_axis_name="c", subcore_axis_name="s")



def _sc_degree(dst3, ones_l, zeros_big):

    @functools.partial(
        pl.kernel,
        out_type=jax.ShapeDtypeStruct((NC, N_PAD, D), jnp.float32),
        mesh=_mesh,
        scratch_types=[
            pltpu.VMEM((CHUNK,), jnp.int32),
            pltpu.VMEM((CHUNK, D), jnp.float32),
            pltpu.VMEM_SHARED((N_PAD, D), jnp.float32),
        ],
    )
    def deg_kernel(dst_hbm, ones_hbm, zer_hbm, deg_hbm, dst_i, ones_v, acc):
        c = lax.axis_index("c")
        s = lax.axis_index("s")
        w = c * NS + s
        pltpu.sync_copy(ones_hbm, ones_v)

        @pl.when(s == 0)
        def _():
            pltpu.sync_copy(zer_hbm, acc)

        plsc.subcore_barrier()

        @pl.loop(0, NCH)
        def _(j):
            pltpu.sync_copy(dst_hbm.at[w, j], dst_i)
            pltpu.sync_copy(ones_v, acc.at[dst_i], add=True)

        plsc.subcore_barrier()

        @pl.when(s == 0)
        def _():
            pltpu.sync_copy(acc, deg_hbm.at[c])

    return deg_kernel(dst3, ones_l, zeros_big)


def _sc_scatter(g, src3, dst3, zeros_big):

    @functools.partial(
        pl.kernel,
        out_type=jax.ShapeDtypeStruct((NC, N_PAD, D), jnp.float32),
        mesh=_mesh,
        scratch_types=[
            pltpu.VMEM((CHUNK,), jnp.int32),
            pltpu.VMEM((CHUNK,), jnp.int32),
            pltpu.VMEM((CHUNK, D), jnp.float32),
            pltpu.VMEM_SHARED((N_PAD, D), jnp.float32),
        ],
    )
    def scat_kernel(g_hbm, src_hbm, dst_hbm, zer_hbm, out_hbm, src_i, dst_i, buf, acc):
        c = lax.axis_index("c")
        s = lax.axis_index("s")
        w = c * NS + s

        @pl.when(s == 0)
        def _():
            pltpu.sync_copy(zer_hbm, acc)

        plsc.subcore_barrier()

        @pl.loop(0, NCH)
        def _(j):
            pltpu.sync_copy(src_hbm.at[w, j], src_i)
            pltpu.sync_copy(g_hbm.at[src_i], buf)
            pltpu.sync_copy(dst_hbm.at[w, j], dst_i)
            pltpu.sync_copy(buf, acc.at[dst_i], add=True)

        plsc.subcore_barrier()

        @pl.when(s == 0)
        def _():
            pltpu.sync_copy(acc, out_hbm.at[c])

    return scat_kernel(g, src3, dst3, zeros_big)



_R = 1024
_GRID = N_PAD // _R


def _dinv_block(deg_ref):
    deg = deg_ref[0, :, 0:1] + deg_ref[1, :, 0:1] + 1.0
    return lax.rsqrt(deg)


def _row_mask(i):
    rid = i * _R + lax.broadcasted_iota(jnp.int32, (_R, 1), 0)
    return rid < N


def _first_body(x_ref, deg_ref, w_ref, o_ref):
    i = pl.program_id(0)
    dinv = _dinv_block(deg_ref)
    h = jnp.dot(x_ref[...], w_ref[...], preferred_element_type=jnp.float32)
    o_ref[...] = jnp.where(_row_mask(i), dinv * h, 0.0)


def _tc_first(x_p, degp, W1):
    return pl.pallas_call(
        _first_body,
        grid=(_GRID,),
        in_specs=[
            pl.BlockSpec((_R, D), lambda i: (i, 0)),
            pl.BlockSpec((NC, _R, D), lambda i: (0, i, 0)),
            pl.BlockSpec((D, D), lambda i: (0, 0)),
        ],
        out_specs=pl.BlockSpec((_R, D), lambda i: (i, 0)),
        out_shape=jax.ShapeDtypeStruct((N_PAD, D), jnp.float32),
    )(x_p, degp, W1)


def _mid_body(p_ref, g_ref, deg_ref, b_ref, w_ref, o_ref):
    i = pl.program_id(0)
    dinv = _dinv_block(deg_ref)
    z = dinv * (p_ref[0] + p_ref[1] + g_ref[...]) + b_ref[...]
    x2 = jnp.maximum(z, 0.0)
    h = jnp.dot(x2, w_ref[...], preferred_element_type=jnp.float32)
    o_ref[...] = jnp.where(_row_mask(i), dinv * h, 0.0)


def _tc_mid(P, g, degp, b, W):
    return pl.pallas_call(
        _mid_body,
        grid=(_GRID,),
        in_specs=[
            pl.BlockSpec((NC, _R, D), lambda i: (0, i, 0)),
            pl.BlockSpec((_R, D), lambda i: (i, 0)),
            pl.BlockSpec((NC, _R, D), lambda i: (0, i, 0)),
            pl.BlockSpec((1, D), lambda i: (0, 0)),
            pl.BlockSpec((D, D), lambda i: (0, 0)),
        ],
        out_specs=pl.BlockSpec((_R, D), lambda i: (i, 0)),
        out_shape=jax.ShapeDtypeStruct((N_PAD, D), jnp.float32),
    )(P, g, degp, b.reshape(1, D), W)


def _last_body(p_ref, g_ref, deg_ref, b_ref, w_ref, bo_ref, o_ref):
    dinv = _dinv_block(deg_ref)
    z = dinv * (p_ref[0] + p_ref[1] + g_ref[...]) + b_ref[...]
    x3 = jnp.maximum(z, 0.0)
    h = jnp.dot(x3, w_ref[...], preferred_element_type=jnp.float32)
    o_ref[...] = h + bo_ref[...]


def _tc_last(Q, g, degp, b, Wfc, bfc):
    return pl.pallas_call(
        _last_body,
        grid=(_GRID,),
        in_specs=[
            pl.BlockSpec((NC, _R, D), lambda i: (0, i, 0)),
            pl.BlockSpec((_R, D), lambda i: (i, 0)),
            pl.BlockSpec((NC, _R, D), lambda i: (0, i, 0)),
            pl.BlockSpec((1, D), lambda i: (0, 0)),
            pl.BlockSpec((D, D), lambda i: (0, 0)),
            pl.BlockSpec((1, D), lambda i: (0, 0)),
        ],
        out_specs=pl.BlockSpec((_R, D), lambda i: (i, 0)),
        out_shape=jax.ShapeDtypeStruct((N_PAD, D), jnp.float32),
    )(Q, g, degp, b.reshape(1, D), Wfc, bfc.reshape(1, D))



def kernel(x, edge_index, W1, b1, W2, b2, Wfc, bfc):
    src = edge_index[0]
    dst = edge_index[1]
    pad = E_PAD - E
    pad_idx = jnp.full((pad,), N, dtype=jnp.int32)
    src3 = jnp.concatenate([src, pad_idx]).reshape(NW, NCH, CHUNK)
    dst3 = jnp.concatenate([dst, pad_idx]).reshape(NW, NCH, CHUNK)

    x_p = jnp.pad(x, ((0, N_PAD - N), (0, 0)))
    ones_l = jnp.ones((CHUNK, D), jnp.float32)
    zeros_big = jnp.zeros((N_PAD, D), jnp.float32)

    degp = _sc_degree(dst3, ones_l, zeros_big)
    g1 = _tc_first(x_p, degp, W1)
    P = _sc_scatter(g1, src3, dst3, zeros_big)
    g2 = _tc_mid(P, g1, degp, b1, W2)
    Q = _sc_scatter(g2, src3, dst3, zeros_big)
    out = _tc_last(Q, g2, degp, b2, Wfc, bfc)
    return out[:N]

# --- scband reference (transcript-rebuilt; emitter-appended) ---
"""Pipeline reference for scband-stgnn-45440753992336 (READ-ONLY COPY).

The authoritative reference and input builder live on the scoring server;
editing this copy changes nothing except your own understanding.
"""

import jax, jax.numpy as jnp
import numpy as np

N = 10000
E = 320000
D = 128
H = 128
O = 128


def setup_inputs(seed: int = 0) -> dict:
    key = jax.random.key(seed)
    ks = jax.random.split(key, 8)
    x = jax.random.normal(ks[0], (N, D), dtype=jnp.float32)
    edge_index = jax.random.randint(ks[1], (2, E), 0, N, dtype=jnp.int32)
    W1 = jax.random.normal(ks[2], (D, H), dtype=jnp.float32) * (1.0 / np.sqrt(D))
    b1 = jnp.zeros((H,), dtype=jnp.float32)
    W2 = jax.random.normal(ks[3], (H, H), dtype=jnp.float32) * (1.0 / np.sqrt(H))
    b2 = jnp.zeros((H,), dtype=jnp.float32)
    Wfc = jax.random.normal(ks[4], (H, O), dtype=jnp.float32) * (1.0 / np.sqrt(H))
    bfc = jnp.zeros((O,), dtype=jnp.float32)
    return {"x": x, "edge_index": edge_index, "W1": W1, "b1": b1, "W2": W2, "b2": b2, "Wfc": Wfc, "bfc": bfc}


def _gcn_conv(x, W, b, edge_index):
    # GCNConv: add self-loops, symmetric normalization, scatter-add aggregation
    src = edge_index[0]
    dst = edge_index[1]
    loop = jnp.arange(N, dtype=src.dtype)
    s = jnp.concatenate([src, loop])
    d = jnp.concatenate([dst, loop])
    deg = jnp.zeros((N,), dtype=x.dtype).at[d].add(1.0)
    dinv = jnp.where(deg > 0, jax.lax.rsqrt(deg), 0.0)
    norm = dinv[s] * dinv[d]
    h = x @ W
    msg = jnp.take(h, s, axis=0) * norm[:, None]
    out = jnp.zeros((N, W.shape[1]), dtype=x.dtype).at[d].add(msg)
    return out + b


def reference(x, edge_index, W1, b1, W2, b2, Wfc, bfc):
    # eval-mode: dropout(p=0.0) is identity
    h = jax.nn.relu(_gcn_conv(x, W1, b1, edge_index))
    h = jax.nn.relu(_gcn_conv(h, W2, b2, edge_index))
    out = h @ Wfc + bfc
    return out

if __name__ == "__main__":
    import jax
    _d = setup_inputs()
    print(jax.jit(kernel)(*tuple(_d.values())))

</pallas_src>

<mosaic_0001>
#map = affine_map<(d0, d1) -> (0, 0)>
#map1 = affine_map<(d0, d1) -> (0, 0, 0)>
module attributes {stable_mosaic.version = 14 : i64} {
  func.func @scat_kernel(%arg0: i32, %arg1: i32, %arg2: memref<10240x128xf32, #tpu.memory_space<hbm>>, %arg3: memref<32x79x128xi32, #tpu.memory_space<hbm>>, %arg4: memref<32x79x128xi32, #tpu.memory_space<hbm>>, %arg5: memref<10240x128xf32, #tpu.memory_space<hbm>>, %arg6: memref<2x10240x128xf32, #tpu.memory_space<hbm>>, %arg7: memref<128xi32, #tpu.memory_space<vmem>>, %arg8: memref<128xi32, #tpu.memory_space<vmem>>, %arg9: memref<128x128xf32, #tpu.memory_space<vmem>>, %arg10: memref<10240x128xf32, #tpu.memory_space<vmem_shared>>) attributes {dimension_semantics = [#tpu.dimension_semantics<core_parallel>, #tpu.dimension_semantics<subcore_parallel>], iteration_bounds = array<i64: 2, 16>, scalar_prefetch = 0 : i64, scratch_operands = 4 : i64, tpu.core_type = #tpu.core_type<sc_vector_subcore>, window_params = [{transform_indices = #map}, {transform_indices = #map1}, {transform_indices = #map1}, {transform_indices = #map}, {transform_indices = #map1}]} {
    %mul3A = arith.constant 16 : i32
    %mul3A_0 = arith.muli %arg0, %mul3A : i32
    %add3A = arith.addi %mul3A_0, %arg1 : i32
    %eq3A = arith.constant 0 : i32
    %eq3A_1 = arith.cmpi eq, %arg1, %eq3A : i32
    %convert_element_type3A = arith.extui %eq3A_1 : i1 to i32
    %cond3A = arith.constant 0 : i32
    %cond3A_2 = arith.cmpi ne, %convert_element_type3A, %cond3A : i32
    scf.if %cond3A_2 {
      "tpu.region"() ({
        %run_scoped3A = tpu.sem_alloc : memref<!tpu.dma_semaphore, #tpu.memory_space<semaphore_mem>>
        tpu.enqueue_dma source(%arg5 : memref<10240x128xf32, #tpu.memory_space<hbm>>) target(%arg10 : memref<10240x128xf32, #tpu.memory_space<vmem_shared>>) target_semaphore(%run_scoped3A : memref<!tpu.dma_semaphore, #tpu.memory_space<semaphore_mem>>)
        tpu.wait_dma2 semaphore(%run_scoped3A : memref<!tpu.dma_semaphore, #tpu.memory_space<semaphore_mem>>) src(%arg5 : memref<10240x128xf32, #tpu.memory_space<hbm>>) dst(%arg10 : memref<10240x128xf32, #tpu.memory_space<vmem_shared>>)
        tpu.yield
      }) : () -> ()
    } else {
    }
    %barrier3A = arith.constant 0 : index
    tpu.barrier barrier_id(%barrier3A)
    %scan3A = arith.constant 0 : i32
    %scan3A_3 = arith.constant 79 : i32
    %scan3A_4 = arith.addi %scan3A, %scan3A_3 : i32
    %scan3A_5 = arith.constant 1 : i32
    scf.for %scan3A_13 = %scan3A to %scan3A_4 step %scan3A_5  : i32 {
      %mul3A_14 = arith.constant 1 : i32
      %mul3A_15 = arith.muli %scan3A_13, %mul3A_14 : i32
      %add3A_16 = arith.constant 0 : i32
      %add3A_17 = arith.addi %add3A_16, %mul3A_15 : i32
      "tpu.region"() ({
        %run_scoped3A = tpu.sem_alloc : memref<!tpu.dma_semaphore, #tpu.memory_space<semaphore_mem>>
        %dma_start3A = arith.constant 0 : i32
        %dma_start3A_18 = tpu.memref_slice %arg3[%add3A, %add3A_17, %dma_start3A] : memref<32x79x128xi32, #tpu.memory_space<hbm>> -> memref<1x1x128xi32, #tpu.memory_space<hbm>>
        %dma_start3A_19 = tpu.memref_squeeze %dma_start3A_18 : memref<1x1x128xi32, #tpu.memory_space<hbm>> -> memref<128xi32, #tpu.memory_space<hbm>>
        %dma_start3A_20 = arith.constant 0 : i32
        %dma_start3A_21 = tpu.memref_slice %arg3[%add3A, %add3A_17, %dma_start3A_20] : memref<32x79x128xi32, #tpu.memory_space<hbm>> -> memref<1x1x128xi32, #tpu.memory_space<hbm>>
        %dma_start3A_22 = tpu.memref_squeeze %dma_start3A_21 : memref<1x1x128xi32, #tpu.memory_space<hbm>> -> memref<128xi32, #tpu.memory_space<hbm>>
        tpu.enqueue_dma source(%dma_start3A_22 : memref<128xi32, #tpu.memory_space<hbm>>) target(%arg7 : memref<128xi32, #tpu.memory_space<vmem>>) target_semaphore(%run_scoped3A : memref<!tpu.dma_semaphore, #tpu.memory_space<semaphore_mem>>)
        %dma_wait3A = arith.constant 0 : i32
        %dma_wait3A_23 = tpu.memref_slice %arg3[%add3A, %add3A_17, %dma_wait3A] : memref<32x79x128xi32, #tpu.memory_space<hbm>> -> memref<1x1x128xi32, #tpu.memory_space<hbm>>
        %dma_wait3A_24 = tpu.memref_squeeze %dma_wait3A_23 : memref<1x1x128xi32, #tpu.memory_space<hbm>> -> memref<128xi32, #tpu.memory_space<hbm>>
        %dma_wait3A_25 = arith.constant 0 : i32
        %dma_wait3A_26 = tpu.memref_slice %arg3[%add3A, %add3A_17, %dma_wait3A_25] : memref<32x79x128xi32, #tpu.memory_space<hbm>> -> memref<1x1x128xi32, #tpu.memory_space<hbm>>
        %dma_wait3A_27 = tpu.memref_squeeze %dma_wait3A_26 : memref<1x1x128xi32, #tpu.memory_space<hbm>> -> memref<128xi32, #tpu.memory_space<hbm>>
        tpu.wait_dma2 semaphore(%run_scoped3A : memref<!tpu.dma_semaphore, #tpu.memory_space<semaphore_mem>>) src(%dma_wait3A_27 : memref<128xi32, #tpu.memory_space<hbm>>) dst(%arg7 : memref<128xi32, #tpu.memory_space<vmem>>)
        tpu.yield
      }) : () -> ()
      "tpu.region"() ({
        %run_scoped3A = tpu.sem_alloc : memref<!tpu.dma_semaphore, #tpu.memory_space<semaphore_mem>>
        %dma_start3A = arith.constant 0 : i32
        %dma_start3A_18 = arith.constant 0 : i32
        %dma_start3A_19 = tpu.memref_slice %arg2[%dma_start3A, %dma_start3A_18] : memref<10240x128xf32, #tpu.memory_space<hbm>> -> memref<10240x128xf32, #tpu.memory_space<hbm>>
        tpu.enqueue_indirect_dma source(%dma_start3A_19 : memref<10240x128xf32, #tpu.memory_space<hbm>>) target(%arg9 : memref<128x128xf32, #tpu.memory_space<vmem>>) offsets(%arg7 : memref<128xi32, #tpu.memory_space<vmem>>) semaphore(%run_scoped3A : memref<!tpu.dma_semaphore, #tpu.memory_space<semaphore_mem>>)
        %dma_wait3A = arith.constant 0 : i32
        %dma_wait3A_20 = arith.constant 0 : i32
        %dma_wait3A_21 = tpu.memref_slice %arg2[%dma_wait3A, %dma_wait3A_20] : memref<10240x128xf32, #tpu.memory_space<hbm>> -> memref<10240x128xf32, #tpu.memory_space<hbm>>
        tpu.wait_indirect_dma semaphore(%run_scoped3A : memref<!tpu.dma_semaphore, #tpu.memory_space<semaphore_mem>>) src(%dma_wait3A_21 : memref<10240x128xf32, #tpu.memory_space<hbm>>) dst(%arg9 : memref<128x128xf32, #tpu.memory_space<vmem>>)
        tpu.yield
      }) : () -> ()
      "tpu.region"() ({
        %run_scoped3A = tpu.sem_alloc : memref<!tpu.dma_semaphore, #tpu.memory_space<semaphore_mem>>
        %dma_start3A = arith.constant 0 : i32
        %dma_start3A_18 = tpu.memref_slice %arg4[%add3A, %add3A_17, %dma_start3A] : memref<32x79x128xi32, #tpu.memory_space<hbm>> -> memref<1x1x128xi32, #tpu.memory_space<hbm>>
        %dma_start3A_19 = tpu.memref_squeeze %dma_start3A_18 : memref<1x1x128xi32, #tpu.memory_space<hbm>> -> memref<128xi32, #tpu.memory_space<hbm>>
        %dma_start3A_20 = arith.constant 0 : i32
        %dma_start3A_21 = tpu.memref_slice %arg4[%add3A, %add3A_17, %dma_start3A_20] : memref<32x79x128xi32, #tpu.memory_space<hbm>> -> memref<1x1x128xi32, #tpu.memory_space<hbm>>
        %dma_start3A_22 = tpu.memref_squeeze %dma_start3A_21 : memref<1x1x128xi32, #tpu.memory_space<hbm>> -> memref<128xi32, #tpu.memory_space<hbm>>
        tpu.enqueue_dma source(%dma_start3A_22 : memref<128xi32, #tpu.memory_space<hbm>>) target(%arg8 : memref<128xi32, #tpu.memory_space<vmem>>) target_semaphore(%run_scoped3A : memref<!tpu.dma_semaphore, #tpu.memory_space<semaphore_mem>>)
        %dma_wait3A = arith.constant 0 : i32
        %dma_wait3A_23 = tpu.memref_slice %arg4[%add3A, %add3A_17, %dma_wait3A] : memref<32x79x128xi32, #tpu.memory_space<hbm>> -> memref<1x1x128xi32, #tpu.memory_space<hbm>>
        %dma_wait3A_24 = tpu.memref_squeeze %dma_wait3A_23 : memref<1x1x128xi32, #tpu.memory_space<hbm>> -> memref<128xi32, #tpu.memory_space<hbm>>
        %dma_wait3A_25 = arith.constant 0 : i32
        %dma_wait3A_26 = tpu.memref_slice %arg4[%add3A, %add3A_17, %dma_wait3A_25] : memref<32x79x128xi32, #tpu.memory_space<hbm>> -> memref<1x1x128xi32, #tpu.memory_space<hbm>>
        %dma_wait3A_27 = tpu.memref_squeeze %dma_wait3A_26 : memref<1x1x128xi32, #tpu.memory_space<hbm>> -> memref<128xi32, #tpu.memory_space<hbm>>
        tpu.wait_dma2 semaphore(%run_scoped3A : memref<!tpu.dma_semaphore, #tpu.memory_space<semaphore_mem>>) src(%dma_wait3A_27 : memref<128xi32, #tpu.memory_space<hbm>>) dst(%arg8 : memref<128xi32, #tpu.memory_space<vmem>>)
        tpu.yield
      }) : () -> ()
      "tpu.region"() ({
        %run_scoped3A = tpu.sem_alloc : memref<!tpu.dma_semaphore, #tpu.memory_space<semaphore_mem>>
        %dma_start3A = arith.constant 0 : i32
        %dma_start3A_18 = arith.constant 0 : i32
        %dma_start3A_19 = tpu.memref_slice %arg10[%dma_start3A, %dma_start3A_18] : memref<10240x128xf32, #tpu.memory_space<vmem_shared>> -> memref<10240x128xf32, #tpu.memory_space<vmem_shared>>
        tpu.enqueue_indirect_dma source(%arg9 : memref<128x128xf32, #tpu.memory_space<vmem>>) target(%dma_start3A_19 : memref<10240x128xf32, #tpu.memory_space<vmem_shared>>) offsets(%arg8 : memref<128xi32, #tpu.memory_space<vmem>>) semaphore(%run_scoped3A : memref<!tpu.dma_semaphore, #tpu.memory_space<semaphore_mem>>) {add = true}
        %dma_wait3A = arith.constant 0 : i32
        %dma_wait3A_20 = arith.constant 0 : i32
        %dma_wait3A_21 = tpu.memref_slice %arg10[%dma_wait3A, %dma_wait3A_20] : memref<10240x128xf32, #tpu.memory_space<vmem_shared>> -> memref<10240x128xf32, #tpu.memory_space<vmem_shared>>
        tpu.wait_indirect_dma semaphore(%run_scoped3A : memref<!tpu.dma_semaphore, #tpu.memory_space<semaphore_mem>>) src(%arg9 : memref<128x128xf32, #tpu.memory_space<vmem>>) dst(%dma_wait3A_21 : memref<10240x128xf32, #tpu.memory_space<vmem_shared>>)
        tpu.yield
      }) : () -> ()
    }
    %scan3A_6 = arith.constant 79 : i32
    %barrier3A_7 = arith.constant 0 : index
    tpu.barrier barrier_id(%barrier3A_7)
    %eq3A_8 = arith.constant 0 : i32
    %eq3A_9 = arith.cmpi eq, %arg1, %eq3A_8 : i32
    %convert_element_type3A_10 = arith.extui %eq3A_9 : i1 to i32
    %cond3A_11 = arith.constant 0 : i32
    %cond3A_12 = arith.cmpi ne, %convert_element_type3A_10, %cond3A_11 : i32
    scf.if %cond3A_12 {
      "tpu.region"() ({
        %run_scoped3A = tpu.sem_alloc : memref<!tpu.dma_semaphore, #tpu.memory_space<semaphore_mem>>
        %dma_start3A = arith.constant 0 : i32
        %dma_start3A_13 = arith.constant 0 : i32
        %dma_start3A_14 = tpu.memref_slice %arg6[%arg0, %dma_start3A, %dma_start3A_13] : memref<2x10240x128xf32, #tpu.memory_space<hbm>> -> memref<1x10240x128xf32, #tpu.memory_space<hbm>>
        %dma_start3A_15 = tpu.memref_squeeze %dma_start3A_14 : memref<1x10240x128xf32, #tpu.memory_space<hbm>> -> memref<10240x128xf32, #tpu.memory_space<hbm>>
        tpu.enqueue_dma source(%arg10 : memref<10240x128xf32, #tpu.memory_space<vmem_shared>>) target(%dma_start3A_15 : memref<10240x128xf32, #tpu.memory_space<hbm>>) target_semaphore(%run_scoped3A : memref<!tpu.dma_semaphore, #tpu.memory_space<semaphore_mem>>)
        %dma_wait3A = arith.constant 0 : i32
        %dma_wait3A_16 = arith.constant 0 : i32
        %dma_wait3A_17 = tpu.memref_slice %arg6[%arg0, %dma_wait3A, %dma_wait3A_16] : memref<2x10240x128xf32, #tpu.memory_space<hbm>> -> memref<1x10240x128xf32, #tpu.memory_space<hbm>>
        %dma_wait3A_18 = tpu.memref_squeeze %dma_wait3A_17 : memref<1x10240x128xf32, #tpu.memory_space<hbm>> -> memref<10240x128xf32, #tpu.memory_space<hbm>>
        tpu.wait_dma2 semaphore(%run_scoped3A : memref<!tpu.dma_semaphore, #tpu.memory_space<semaphore_mem>>) src(%arg10 : memref<10240x128xf32, #tpu.memory_space<vmem_shared>>) dst(%dma_wait3A_18 : memref<10240x128xf32, #tpu.memory_space<hbm>>)
        tpu.yield
      }) : () -> ()
    } else {
    }
    return
  }
}

#map = affine_map<(d0, d1) -> (0, 0, 0)>
#map1 = affine_map<(d0, d1) -> (0, 0)>
module attributes {stable_mosaic.version = 14 : i64} {
  func.func @deg_kernel(%arg0: i32, %arg1: i32, %arg2: memref<32x79x128xi32, #tpu.memory_space<hbm>>, %arg3: memref<128x128xf32, #tpu.memory_space<hbm>>, %arg4: memref<10240x128xf32, #tpu.memory_space<hbm>>, %arg5: memref<2x10240x128xf32, #tpu.memory_space<hbm>>, %arg6: memref<128xi32, #tpu.memory_space<vmem>>, %arg7: memref<128x128xf32, #tpu.memory_space<vmem>>, %arg8: memref<10240x128xf32, #tpu.memory_space<vmem_shared>>) attributes {dimension_semantics = [#tpu.dimension_semantics<core_parallel>, #tpu.dimension_semantics<subcore_parallel>], iteration_bounds = array<i64: 2, 16>, scalar_prefetch = 0 : i64, scratch_operands = 3 : i64, tpu.core_type = #tpu.core_type<sc_vector_subcore>, window_params = [{transform_indices = #map}, {transform_indices = #map1}, {transform_indices = #map1}, {transform_indices = #map}]} {
    %mul3A = arith.constant 16 : i32
    %mul3A_0 = arith.muli %arg0, %mul3A : i32
    %add3A = arith.addi %mul3A_0, %arg1 : i32
    "tpu.region"() ({
      %run_scoped3A = tpu.sem_alloc : memref<!tpu.dma_semaphore, #tpu.memory_space<semaphore_mem>>
      tpu.enqueue_dma source(%arg3 : memref<128x128xf32, #tpu.memory_space<hbm>>) target(%arg7 : memref<128x128xf32, #tpu.memory_space<vmem>>) target_semaphore(%run_scoped3A : memref<!tpu.dma_semaphore, #tpu.memory_space<semaphore_mem>>)
      tpu.wait_dma2 semaphore(%run_scoped3A : memref<!tpu.dma_semaphore, #tpu.memory_space<semaphore_mem>>) src(%arg3 : memref<128x128xf32, #tpu.memory_space<hbm>>) dst(%arg7 : memref<128x128xf32, #tpu.memory_space<vmem>>)
      tpu.yield
    }) : () -> ()
    %eq3A = arith.constant 0 : i32
    %eq3A_1 = arith.cmpi eq, %arg1, %eq3A : i32
    %convert_element_type3A = arith.extui %eq3A_1 : i1 to i32
    %cond3A = arith.constant 0 : i32
    %cond3A_2 = arith.cmpi ne, %convert_element_type3A, %cond3A : i32
    scf.if %cond3A_2 {
      "tpu.region"() ({
        %run_scoped3A = tpu.sem_alloc : memref<!tpu.dma_semaphore, #tpu.memory_space<semaphore_mem>>
        tpu.enqueue_dma source(%arg4 : memref<10240x128xf32, #tpu.memory_space<hbm>>) target(%arg8 : memref<10240x128xf32, #tpu.memory_space<vmem_shared>>) target_semaphore(%run_scoped3A : memref<!tpu.dma_semaphore, #tpu.memory_space<semaphore_mem>>)
        tpu.wait_dma2 semaphore(%run_scoped3A : memref<!tpu.dma_semaphore, #tpu.memory_space<semaphore_mem>>) src(%arg4 : memref<10240x128xf32, #tpu.memory_space<hbm>>) dst(%arg8 : memref<10240x128xf32, #tpu.memory_space<vmem_shared>>)
        tpu.yield
      }) : () -> ()
    } else {
    }
    %barrier3A = arith.constant 0 : index
    tpu.barrier barrier_id(%barrier3A)
    %scan3A = arith.constant 0 : i32
    %scan3A_3 = arith.constant 79 : i32
    %scan3A_4 = arith.addi %scan3A, %scan3A_3 : i32
    %scan3A_5 = arith.constant 1 : i32
    scf.for %scan3A_13 = %scan3A to %scan3A_4 step %scan3A_5  : i32 {
      %mul3A_14 = arith.constant 1 : i32
      %mul3A_15 = arith.muli %scan3A_13, %mul3A_14 : i32
      %add3A_16 = arith.constant 0 : i32
      %add3A_17 = arith.addi %add3A_16, %mul3A_15 : i32
      "tpu.region"() ({
        %run_scoped3A = tpu.sem_alloc : memref<!tpu.dma_semaphore, #tpu.memory_space<semaphore_mem>>
        %dma_start3A = arith.constant 0 : i32
        %dma_start3A_18 = tpu.memref_slice %arg2[%add3A, %add3A_17, %dma_start3A] : memref<32x79x128xi32, #tpu.memory_space<hbm>> -> memref<1x1x128xi32, #tpu.memory_space<hbm>>
        %dma_start3A_19 = tpu.memref_squeeze %dma_start3A_18 : memref<1x1x128xi32, #tpu.memory_space<hbm>> -> memref<128xi32, #tpu.memory_space<hbm>>
        %dma_start3A_20 = arith.constant 0 : i32
        %dma_start3A_21 = tpu.memref_slice %arg2[%add3A, %add3A_17, %dma_start3A_20] : memref<32x79x128xi32, #tpu.memory_space<hbm>> -> memref<1x1x128xi32, #tpu.memory_space<hbm>>
        %dma_start3A_22 = tpu.memref_squeeze %dma_start3A_21 : memref<1x1x128xi32, #tpu.memory_space<hbm>> -> memref<128xi32, #tpu.memory_space<hbm>>
        tpu.enqueue_dma source(%dma_start3A_22 : memref<128xi32, #tpu.memory_space<hbm>>) target(%arg6 : memref<128xi32, #tpu.memory_space<vmem>>) target_semaphore(%run_scoped3A : memref<!tpu.dma_semaphore, #tpu.memory_space<semaphore_mem>>)
        %dma_wait3A = arith.constant 0 : i32
        %dma_wait3A_23 = tpu.memref_slice %arg2[%add3A, %add3A_17, %dma_wait3A] : memref<32x79x128xi32, #tpu.memory_space<hbm>> -> memref<1x1x128xi32, #tpu.memory_space<hbm>>
        %dma_wait3A_24 = tpu.memref_squeeze %dma_wait3A_23 : memref<1x1x128xi32, #tpu.memory_space<hbm>> -> memref<128xi32, #tpu.memory_space<hbm>>
        %dma_wait3A_25 = arith.constant 0 : i32
        %dma_wait3A_26 = tpu.memref_slice %arg2[%add3A, %add3A_17, %dma_wait3A_25] : memref<32x79x128xi32, #tpu.memory_space<hbm>> -> memref<1x1x128xi32, #tpu.memory_space<hbm>>
        %dma_wait3A_27 = tpu.memref_squeeze %dma_wait3A_26 : memref<1x1x128xi32, #tpu.memory_space<hbm>> -> memref<128xi32, #tpu.memory_space<hbm>>
        tpu.wait_dma2 semaphore(%run_scoped3A : memref<!tpu.dma_semaphore, #tpu.memory_space<semaphore_mem>>) src(%dma_wait3A_27 : memref<128xi32, #tpu.memory_space<hbm>>) dst(%arg6 : memref<128xi32, #tpu.memory_space<vmem>>)
        tpu.yield
      }) : () -> ()
      "tpu.region"() ({
        %run_scoped3A = tpu.sem_alloc : memref<!tpu.dma_semaphore, #tpu.memory_space<semaphore_mem>>
        %dma_start3A = arith.constant 0 : i32
        %dma_start3A_18 = arith.constant 0 : i32
        %dma_start3A_19 = tpu.memref_slice %arg8[%dma_start3A, %dma_start3A_18] : memref<10240x128xf32, #tpu.memory_space<vmem_shared>> -> memref<10240x128xf32, #tpu.memory_space<vmem_shared>>
        tpu.enqueue_indirect_dma source(%arg7 : memref<128x128xf32, #tpu.memory_space<vmem>>) target(%dma_start3A_19 : memref<10240x128xf32, #tpu.memory_space<vmem_shared>>) offsets(%arg6 : memref<128xi32, #tpu.memory_space<vmem>>) semaphore(%run_scoped3A : memref<!tpu.dma_semaphore, #tpu.memory_space<semaphore_mem>>) {add = true}
        %dma_wait3A = arith.constant 0 : i32
        %dma_wait3A_20 = arith.constant 0 : i32
        %dma_wait3A_21 = tpu.memref_slice %arg8[%dma_wait3A, %dma_wait3A_20] : memref<10240x128xf32, #tpu.memory_space<vmem_shared>> -> memref<10240x128xf32, #tpu.memory_space<vmem_shared>>
        tpu.wait_indirect_dma semaphore(%run_scoped3A : memref<!tpu.dma_semaphore, #tpu.memory_space<semaphore_mem>>) src(%arg7 : memref<128x128xf32, #tpu.memory_space<vmem>>) dst(%dma_wait3A_21 : memref<10240x128xf32, #tpu.memory_space<vmem_shared>>)
        tpu.yield
      }) : () -> ()
    }
    %scan3A_6 = arith.constant 79 : i32
    %barrier3A_7 = arith.constant 0 : index
    tpu.barrier barrier_id(%barrier3A_7)
    %eq3A_8 = arith.constant 0 : i32
    %eq3A_9 = arith.cmpi eq, %arg1, %eq3A_8 : i32
    %convert_element_type3A_10 = arith.extui %eq3A_9 : i1 to i32
    %cond3A_11 = arith.constant 0 : i32
    %cond3A_12 = arith.cmpi ne, %convert_element_type3A_10, %cond3A_11 : i32
    scf.if %cond3A_12 {
      "tpu.region"() ({
        %run_scoped3A = tpu.sem_alloc : memref<!tpu.dma_semaphore, #tpu.memory_space<semaphore_mem>>
        %dma_start3A = arith.constant 0 : i32
        %dma_start3A_13 = arith.constant 0 : i32
        %dma_start3A_14 = tpu.memref_slice %arg5[%arg0, %dma_start3A, %dma_start3A_13] : memref<2x10240x128xf32, #tpu.memory_space<hbm>> -> memref<1x10240x128xf32, #tpu.memory_space<hbm>>
        %dma_start3A_15 = tpu.memref_squeeze %dma_start3A_14 : memref<1x10240x128xf32, #tpu.memory_space<hbm>> -> memref<10240x128xf32, #tpu.memory_space<hbm>>
        tpu.enqueue_dma source(%arg8 : memref<10240x128xf32, #tpu.memory_space<vmem_shared>>) target(%dma_start3A_15 : memref<10240x128xf32, #tpu.memory_space<hbm>>) target_semaphore(%run_scoped3A : memref<!tpu.dma_semaphore, #tpu.memory_space<semaphore_mem>>)
        %dma_wait3A = arith.constant 0 : i32
        %dma_wait3A_16 = arith.constant 0 : i32
        %dma_wait3A_17 = tpu.memref_slice %arg5[%arg0, %dma_wait3A, %dma_wait3A_16] : memref<2x10240x128xf32, #tpu.memory_space<hbm>> -> memref<1x10240x128xf32, #tpu.memory_space<hbm>>
        %dma_wait3A_18 = tpu.memref_squeeze %dma_wait3A_17 : memref<1x10240x128xf32, #tpu.memory_space<hbm>> -> memref<10240x128xf32, #tpu.memory_space<hbm>>
        tpu.wait_dma2 semaphore(%run_scoped3A : memref<!tpu.dma_semaphore, #tpu.memory_space<semaphore_mem>>) src(%arg8 : memref<10240x128xf32, #tpu.memory_space<vmem_shared>>) dst(%dma_wait3A_18 : memref<10240x128xf32, #tpu.memory_space<hbm>>)
        tpu.yield
      }) : () -> ()
    } else {
    }
    return
  }
}

#map = affine_map<(d0, d1) -> (0, 0)>
#map1 = affine_map<(d0, d1) -> (0, 0, 0)>
module attributes {stable_mosaic.version = 14 : i64} {
  func.func @scat_kernel(%arg0: i32, %arg1: i32, %arg2: memref<10240x128xf32, #tpu.memory_space<hbm>>, %arg3: memref<32x79x128xi32, #tpu.memory_space<hbm>>, %arg4: memref<32x79x128xi32, #tpu.memory_space<hbm>>, %arg5: memref<10240x128xf32, #tpu.memory_space<hbm>>, %arg6: memref<2x10240x128xf32, #tpu.memory_space<hbm>>, %arg7: memref<128xi32, #tpu.memory_space<vmem>>, %arg8: memref<128xi32, #tpu.memory_space<vmem>>, %arg9: memref<128x128xf32, #tpu.memory_space<vmem>>, %arg10: memref<10240x128xf32, #tpu.memory_space<vmem_shared>>) attributes {dimension_semantics = [#tpu.dimension_semantics<core_parallel>, #tpu.dimension_semantics<subcore_parallel>], iteration_bounds = array<i64: 2, 16>, scalar_prefetch = 0 : i64, scratch_operands = 4 : i64, tpu.core_type = #tpu.core_type<sc_vector_subcore>, window_params = [{transform_indices = #map}, {transform_indices = #map1}, {transform_indices = #map1}, {transform_indices = #map}, {transform_indices = #map1}]} {
    %mul3A = arith.constant 16 : i32
    %mul3A_0 = arith.muli %arg0, %mul3A : i32
    %add3A = arith.addi %mul3A_0, %arg1 : i32
    %eq3A = arith.constant 0 : i32
    %eq3A_1 = arith.cmpi eq, %arg1, %eq3A : i32
    %convert_element_type3A = arith.extui %eq3A_1 : i1 to i32
    %cond3A = arith.constant 0 : i32
    %cond3A_2 = arith.cmpi ne, %convert_element_type3A, %cond3A : i32
    scf.if %cond3A_2 {
      "tpu.region"() ({
        %run_scoped3A = tpu.sem_alloc : memref<!tpu.dma_semaphore, #tpu.memory_space<semaphore_mem>>
        tpu.enqueue_dma source(%arg5 : memref<10240x128xf32, #tpu.memory_space<hbm>>) target(%arg10 : memref<10240x128xf32, #tpu.memory_space<vmem_shared>>) target_semaphore(%run_scoped3A : memref<!tpu.dma_semaphore, #tpu.memory_space<semaphore_mem>>)
        tpu.wait_dma2 semaphore(%run_scoped3A : memref<!tpu.dma_semaphore, #tpu.memory_space<semaphore_mem>>) src(%arg5 : memref<10240x128xf32, #tpu.memory_space<hbm>>) dst(%arg10 : memref<10240x128xf32, #tpu.memory_space<vmem_shared>>)
        tpu.yield
      }) : () -> ()
    } else {
    }
    %barrier3A = arith.constant 0 : index
    tpu.barrier barrier_id(%barrier3A)
    %scan3A = arith.constant 0 : i32
    %scan3A_3 = arith.constant 79 : i32
    %scan3A_4 = arith.addi %scan3A, %scan3A_3 : i32
    %scan3A_5 = arith.constant 1 : i32
    scf.for %scan3A_13 = %scan3A to %scan3A_4 step %scan3A_5  : i32 {
      %mul3A_14 = arith.constant 1 : i32
      %mul3A_15 = arith.muli %scan3A_13, %mul3A_14 : i32
      %add3A_16 = arith.constant 0 : i32
      %add3A_17 = arith.addi %add3A_16, %mul3A_15 : i32
      "tpu.region"() ({
        %run_scoped3A = tpu.sem_alloc : memref<!tpu.dma_semaphore, #tpu.memory_space<semaphore_mem>>
        %dma_start3A = arith.constant 0 : i32
        %dma_start3A_18 = tpu.memref_slice %arg3[%add3A, %add3A_17, %dma_start3A] : memref<32x79x128xi32, #tpu.memory_space<hbm>> -> memref<1x1x128xi32, #tpu.memory_space<hbm>>
        %dma_start3A_19 = tpu.memref_squeeze %dma_start3A_18 : memref<1x1x128xi32, #tpu.memory_space<hbm>> -> memref<128xi32, #tpu.memory_space<hbm>>
        %dma_start3A_20 = arith.constant 0 : i32
        %dma_start3A_21 = tpu.memref_slice %arg3[%add3A, %add3A_17, %dma_start3A_20] : memref<32x79x128xi32, #tpu.memory_space<hbm>> -> memref<1x1x128xi32, #tpu.memory_space<hbm>>
        %dma_start3A_22 = tpu.memref_squeeze %dma_start3A_21 : memref<1x1x128xi32, #tpu.memory_space<hbm>> -> memref<128xi32, #tpu.memory_space<hbm>>
        tpu.enqueue_dma source(%dma_start3A_22 : memref<128xi32, #tpu.memory_space<hbm>>) target(%arg7 : memref<128xi32, #tpu.memory_space<vmem>>) target_semaphore(%run_scoped3A : memref<!tpu.dma_semaphore, #tpu.memory_space<semaphore_mem>>)
        %dma_wait3A = arith.constant 0 : i32
        %dma_wait3A_23 = tpu.memref_slice %arg3[%add3A, %add3A_17, %dma_wait3A] : memref<32x79x128xi32, #tpu.memory_space<hbm>> -> memref<1x1x128xi32, #tpu.memory_space<hbm>>
        %dma_wait3A_24 = tpu.memref_squeeze %dma_wait3A_23 : memref<1x1x128xi32, #tpu.memory_space<hbm>> -> memref<128xi32, #tpu.memory_space<hbm>>
        %dma_wait3A_25 = arith.constant 0 : i32
        %dma_wait3A_26 = tpu.memref_slice %arg3[%add3A, %add3A_17, %dma_wait3A_25] : memref<32x79x128xi32, #tpu.memory_space<hbm>> -> memref<1x1x128xi32, #tpu.memory_space<hbm>>
        %dma_wait3A_27 = tpu.memref_squeeze %dma_wait3A_26 : memref<1x1x128xi32, #tpu.memory_space<hbm>> -> memref<128xi32, #tpu.memory_space<hbm>>
        tpu.wait_dma2 semaphore(%run_scoped3A : memref<!tpu.dma_semaphore, #tpu.memory_space<semaphore_mem>>) src(%dma_wait3A_27 : memref<128xi32, #tpu.memory_space<hbm>>) dst(%arg7 : memref<128xi32, #tpu.memory_space<vmem>>)
        tpu.yield
      }) : () -> ()
      "tpu.region"() ({
        %run_scoped3A = tpu.sem_alloc : memref<!tpu.dma_semaphore, #tpu.memory_space<semaphore_mem>>
        %dma_start3A = arith.constant 0 : i32
        %dma_start3A_18 = arith.constant 0 : i32
        %dma_start3A_19 = tpu.memref_slice %arg2[%dma_start3A, %dma_start3A_18] : memref<10240x128xf32, #tpu.memory_space<hbm>> -> memref<10240x128xf32, #tpu.memory_space<hbm>>
        tpu.enqueue_indirect_dma source(%dma_start3A_19 : memref<10240x128xf32, #tpu.memory_space<hbm>>) target(%arg9 : memref<128x128xf32, #tpu.memory_space<vmem>>) offsets(%arg7 : memref<128xi32, #tpu.memory_space<vmem>>) semaphore(%run_scoped3A : memref<!tpu.dma_semaphore, #tpu.memory_space<semaphore_mem>>)
        %dma_wait3A = arith.constant 0 : i32
        %dma_wait3A_20 = arith.constant 0 : i32
        %dma_wait3A_21 = tpu.memref_slice %arg2[%dma_wait3A, %dma_wait3A_20] : memref<10240x128xf32, #tpu.memory_space<hbm>> -> memref<10240x128xf32, #tpu.memory_space<hbm>>
        tpu.wait_indirect_dma semaphore(%run_scoped3A : memref<!tpu.dma_semaphore, #tpu.memory_space<semaphore_mem>>) src(%dma_wait3A_21 : memref<10240x128xf32, #tpu.memory_space<hbm>>) dst(%arg9 : memref<128x128xf32, #tpu.memory_space<vmem>>)
        tpu.yield
      }) : () -> ()
      "tpu.region"() ({
        %run_scoped3A = tpu.sem_alloc : memref<!tpu.dma_semaphore, #tpu.memory_space<semaphore_mem>>
        %dma_start3A = arith.constant 0 : i32
        %dma_start3A_18 = tpu.memref_slice %arg4[%add3A, %add3A_17, %dma_start3A] : memref<32x79x128xi32, #tpu.memory_space<hbm>> -> memref<1x1x128xi32, #tpu.memory_space<hbm>>
        %dma_start3A_19 = tpu.memref_squeeze %dma_start3A_18 : memref<1x1x128xi32, #tpu.memory_space<hbm>> -> memref<128xi32, #tpu.memory_space<hbm>>
        %dma_start3A_20 = arith.constant 0 : i32
        %dma_start3A_21 = tpu.memref_slice %arg4[%add3A, %add3A_17, %dma_start3A_20] : memref<32x79x128xi32, #tpu.memory_space<hbm>> -> memref<1x1x128xi32, #tpu.memory_space<hbm>>
        %dma_start3A_22 = tpu.memref_squeeze %dma_start3A_21 : memref<1x1x128xi32, #tpu.memory_space<hbm>> -> memref<128xi32, #tpu.memory_space<hbm>>
        tpu.enqueue_dma source(%dma_start3A_22 : memref<128xi32, #tpu.memory_space<hbm>>) target(%arg8 : memref<128xi32, #tpu.memory_space<vmem>>) target_semaphore(%run_scoped3A : memref<!tpu.dma_semaphore, #tpu.memory_space<semaphore_mem>>)
        %dma_wait3A = arith.constant 0 : i32
        %dma_wait3A_23 = tpu.memref_slice %arg4[%add3A, %add3A_17, %dma_wait3A] : memref<32x79x128xi32, #tpu.memory_space<hbm>> -> memref<1x1x128xi32, #tpu.memory_space<hbm>>
        %dma_wait3A_24 = tpu.memref_squeeze %dma_wait3A_23 : memref<1x1x128xi32, #tpu.memory_space<hbm>> -> memref<128xi32, #tpu.memory_space<hbm>>
        %dma_wait3A_25 = arith.constant 0 : i32
        %dma_wait3A_26 = tpu.memref_slice %arg4[%add3A, %add3A_17, %dma_wait3A_25] : memref<32x79x128xi32, #tpu.memory_space<hbm>> -> memref<1x1x128xi32, #tpu.memory_space<hbm>>
        %dma_wait3A_27 = tpu.memref_squeeze %dma_wait3A_26 : memref<1x1x128xi32, #tpu.memory_space<hbm>> -> memref<128xi32, #tpu.memory_space<hbm>>
        tpu.wait_dma2 semaphore(%run_scoped3A : memref<!tpu.dma_semaphore, #tpu.memory_space<semaphore_mem>>) src(%dma_wait3A_27 : memref<128xi32, #tpu.memory_space<hbm>>) dst(%arg8 : memref<128xi32, #tpu.memory_space<vmem>>)
        tpu.yield
      }) : () -> ()
      "tpu.region"() ({
        %run_scoped3A = tpu.sem_alloc : memref<!tpu.dma_semaphore, #tpu.memory_space<semaphore_mem>>
        %dma_start3A = arith.constant 0 : i32
        %dma_start3A_18 = arith.constant 0 : i32
        %dma_start3A_19 = tpu.memref_slice %arg10[%dma_start3A, %dma_start3A_18] : memref<10240x128xf32, #tpu.memory_space<vmem_shared>> -> memref<10240x128xf32, #tpu.memory_space<vmem_shared>>
        tpu.enqueue_indirect_dma source(%arg9 : memref<128x128xf32, #tpu.memory_space<vmem>>) target(%dma_start3A_19 : memref<10240x128xf32, #tpu.memory_space<vmem_shared>>) offsets(%arg8 : memref<128xi32, #tpu.memory_space<vmem>>) semaphore(%run_scoped3A : memref<!tpu.dma_semaphore, #tpu.memory_space<semaphore_mem>>) {add = true}
        %dma_wait3A = arith.constant 0 : i32
        %dma_wait3A_20 = arith.constant 0 : i32
        %dma_wait3A_21 = tpu.memref_slice %arg10[%dma_wait3A, %dma_wait3A_20] : memref<10240x128xf32, #tpu.memory_space<vmem_shared>> -> memref<10240x128xf32, #tpu.memory_space<vmem_shared>>
        tpu.wait_indirect_dma semaphore(%run_scoped3A : memref<!tpu.dma_semaphore, #tpu.memory_space<semaphore_mem>>) src(%arg9 : memref<128x128xf32, #tpu.memory_space<vmem>>) dst(%dma_wait3A_21 : memref<10240x128xf32, #tpu.memory_space<vmem_shared>>)
        tpu.yield
      }) : () -> ()
    }
    %scan3A_6 = arith.constant 79 : i32
    %barrier3A_7 = arith.constant 0 : index
    tpu.barrier barrier_id(%barrier3A_7)
    %eq3A_8 = arith.constant 0 : i32
    %eq3A_9 = arith.cmpi eq, %arg1, %eq3A_8 : i32
    %convert_element_type3A_10 = arith.extui %eq3A_9 : i1 to i32
    %cond3A_11 = arith.constant 0 : i32
    %cond3A_12 = arith.cmpi ne, %convert_element_type3A_10, %cond3A_11 : i32
    scf.if %cond3A_12 {
      "tpu.region"() ({
        %run_scoped3A = tpu.sem_alloc : memref<!tpu.dma_semaphore, #tpu.memory_space<semaphore_mem>>
        %dma_start3A = arith.constant 0 : i32
        %dma_start3A_13 = arith.constant 0 : i32
        %dma_start3A_14 = tpu.memref_slice %arg6[%arg0, %dma_start3A, %dma_start3A_13] : memref<2x10240x128xf32, #tpu.memory_space<hbm>> -> memref<1x10240x128xf32, #tpu.memory_space<hbm>>
        %dma_start3A_15 = tpu.memref_squeeze %dma_start3A_14 : memref<1x10240x128xf32, #tpu.memory_space<hbm>> -> memref<10240x128xf32, #tpu.memory_space<hbm>>
        tpu.enqueue_dma source(%arg10 : memref<10240x128xf32, #tpu.memory_space<vmem_shared>>) target(%dma_start3A_15 : memref<10240x128xf32, #tpu.memory_space<hbm>>) target_semaphore(%run_scoped3A : memref<!tpu.dma_semaphore, #tpu.memory_space<semaphore_mem>>)
        %dma_wait3A = arith.constant 0 : i32
        %dma_wait3A_16 = arith.constant 0 : i32
        %dma_wait3A_17 = tpu.memref_slice %arg6[%arg0, %dma_wait3A, %dma_wait3A_16] : memref<2x10240x128xf32, #tpu.memory_space<hbm>> -> memref<1x10240x128xf32, #tpu.memory_space<hbm>>
        %dma_wait3A_18 = tpu.memref_squeeze %dma_wait3A_17 : memref<1x10240x128xf32, #tpu.memory_space<hbm>> -> memref<10240x128xf32, #tpu.memory_space<hbm>>
        tpu.wait_dma2 semaphore(%run_scoped3A : memref<!tpu.dma_semaphore, #tpu.memory_space<semaphore_mem>>) src(%arg10 : memref<10240x128xf32, #tpu.memory_space<vmem_shared>>) dst(%dma_wait3A_18 : memref<10240x128xf32, #tpu.memory_space<hbm>>)
        tpu.yield
      }) : () -> ()
    } else {
    }
    return
  }
}

module attributes {stable_mosaic.version = 14 : i64} {
  func.func @_first_body(%arg0: i32, %arg1: memref<1024x128xf32, #tpu.memory_space<vmem>>, %arg2: memref<2x1024x128xf32, #tpu.memory_space<vmem>>, %arg3: memref<128x128xf32, #tpu.memory_space<vmem>>, %arg4: memref<1024x128xf32, #tpu.memory_space<vmem>>) attributes {dimension_semantics = [#tpu.dimension_semantics<arbitrary>], iteration_bounds = array<i64: 10>, scalar_prefetch = 0 : i64, scratch_operands = 0 : i64, tpu.core_type = #tpu.core_type<tc>, window_params = [{transform_indices = @transform_0, window_bounds = array<i64: 1024, 128>}, {transform_indices = @transform_1, window_bounds = array<i64: 2, 1024, 128>}, {pipeline_mode = #tpu.pipeline_mode<synchronous>, transform_indices = @transform_2, window_bounds = array<i64: 128, 128>}, {transform_indices = @transform_3, window_bounds = array<i64: 1024, 128>}]} {
    %get3A = arith.constant 0 : index
    %get3A_0 = arith.constant 0 : index
    %get3A_1 = arith.constant 0 : index
    %get3A_2 = vector.load %arg2[%get3A, %get3A_0, %get3A_1] : memref<2x1024x128xf32, #tpu.memory_space<vmem>>, vector<1x1024x1xf32>
    %get3A_3 = vector.shape_cast %get3A_2 : vector<1x1024x1xf32> to vector<1024x1xf32>
    %get3A_4 = arith.constant 1 : index
    %get3A_5 = arith.constant 0 : index
    %get3A_6 = arith.constant 0 : index
    %get3A_7 = vector.load %arg2[%get3A_4, %get3A_5, %get3A_6] : memref<2x1024x128xf32, #tpu.memory_space<vmem>>, vector<1x1024x1xf32>
    %get3A_8 = vector.shape_cast %get3A_7 : vector<1x1024x1xf32> to vector<1024x1xf32>
    %add3A = arith.addf %get3A_3, %get3A_8 : vector<1024x1xf32>
    %add3A_9 = arith.constant 1.000000e+00 : f32
    %add3A_10 = vector.broadcast %add3A_9 : f32 to vector<1024x1xf32>
    %add3A_11 = arith.addf %add3A, %add3A_10 : vector<1024x1xf32>
    %rsqrt3A = math.rsqrt %add3A_11 : vector<1024x1xf32>
    %get3A_12 = arith.constant 0 : index
    %get3A_13 = arith.constant 0 : index
    %get3A_14 = vector.load %arg1[%get3A_12, %get3A_13] : memref<1024x128xf32, #tpu.memory_space<vmem>>, vector<1024x128xf32>
    %get3A_15 = arith.constant 0 : index
    %get3A_16 = arith.constant 0 : index
    %get3A_17 = vector.load %arg3[%get3A_15, %get3A_16] : memref<128x128xf32, #tpu.memory_space<vmem>>, vector<128x128xf32>
    %dot_general3A = arith.constant dense<0.000000e+00> : vector<1024x128xf32>
    %dot_general3A_18 = tpu.matmul %get3A_14, %get3A_17, %dot_general3A {dimension_numbers = #tpu.dot_dimension_numbers<[1], [0], [0], [1], [0, 0, 1, 1], [], []>, transpose_lhs_hint = false} : vector<1024x128xf32>, vector<128x128xf32>, vector<1024x128xf32> -> vector<1024x128xf32>
    %mul3A = arith.constant 1024 : i32
    %mul3A_19 = arith.muli %arg0, %mul3A : i32
    %iota3A = tpu.iota {dimensions = array<i32: 0>} : vector<1024x1xi32>
    %add3A_20 = vector.broadcast %mul3A_19 : i32 to vector<1024x1xi32>
    %add3A_21 = arith.addi %add3A_20, %iota3A : vector<1024x1xi32>
    %lt3A = arith.constant 10000 : i32
    %lt3A_22 = vector.broadcast %lt3A : i32 to vector<1024x1xi32>
    %lt3A_23 = arith.cmpi slt, %add3A_21, %lt3A_22 : vector<1024x1xi32>
    %mul3A_24 = vector.broadcast %rsqrt3A : vector<1024x1xf32> to vector<1024x128xf32>
    %mul3A_25 = arith.mulf %mul3A_24, %dot_general3A_18 : vector<1024x128xf32>
    %jit3A = arith.constant 0.000000e+00 : f32
    %broadcast_in_dim3A = vector.shape_cast %lt3A_23 : vector<1024x1xi1> to vector<1024x1xi1>
    %broadcast_in_dim3A_26 = vector.broadcast %broadcast_in_dim3A : vector<1024x1xi1> to vector<1024x128xi1>
    %broadcast_in_dim3A_27 = vector.broadcast %jit3A : f32 to vector<1024x128xf32>
    %select_n3A = arith.select %broadcast_in_dim3A_26, %mul3A_25, %broadcast_in_dim3A_27 : vector<1024x128xi1>, vector<1024x128xf32>
    %swap3A = arith.constant 0 : index
    %swap3A_28 = arith.constant 0 : index
    %swap3A_29 = vector.load %arg4[%swap3A, %swap3A_28] : memref<1024x128xf32, #tpu.memory_space<vmem>>, vector<1024x128xf32>
    tpu.vector_store %arg4[%swap3A, %swap3A_28], %select_n3A {strides = array<i32>} : memref<1024x128xf32, #tpu.memory_space<vmem>>, vector<1024x128xf32>,
    return
  }
  func.func @transform_0(%arg0: i32) -> (i32, i32) {
    %c0_i32 = arith.constant 0 : i32
    %c0_i32_0 = arith.constant 0 : i32
    return %arg0, %c0_i32 : i32, i32
  }
  func.func @transform_1(%arg0: i32) -> (i32, i32, i32) {
    %c0_i32 = arith.constant 0 : i32
    %c0_i32_0 = arith.constant 0 : i32
    %c0_i32_1 = arith.constant 0 : i32
    return %c0_i32, %arg0, %c0_i32_0 : i32, i32, i32
  }
  func.func @transform_2(%arg0: i32) -> (i32, i32) {
    %c0_i32 = arith.constant 0 : i32
    %c0_i32_0 = arith.constant 0 : i32
    %c0_i32_1 = arith.constant 0 : i32
    return %c0_i32, %c0_i32_0 : i32, i32
  }
  func.func @transform_3(%arg0: i32) -> (i32, i32) {
    %c0_i32 = arith.constant 0 : i32
    %c0_i32_0 = arith.constant 0 : i32
    return %arg0, %c0_i32 : i32, i32
  }
}

module attributes {stable_mosaic.version = 14 : i64} {
  func.func @_mid_body(%arg0: i32, %arg1: memref<2x1024x128xf32, #tpu.memory_space<vmem>>, %arg2: memref<1024x128xf32, #tpu.memory_space<vmem>>, %arg3: memref<2x1024x128xf32, #tpu.memory_space<vmem>>, %arg4: memref<1x128xf32, #tpu.memory_space<vmem>>, %arg5: memref<128x128xf32, #tpu.memory_space<vmem>>, %arg6: memref<1024x128xf32, #tpu.memory_space<vmem>>) attributes {dimension_semantics = [#tpu.dimension_semantics<arbitrary>], iteration_bounds = array<i64: 10>, scalar_prefetch = 0 : i64, scratch_operands = 0 : i64, tpu.core_type = #tpu.core_type<tc>, window_params = [{transform_indices = @transform_0, window_bounds = array<i64: 2, 1024, 128>}, {transform_indices = @transform_1, window_bounds = array<i64: 1024, 128>}, {transform_indices = @transform_2, window_bounds = array<i64: 2, 1024, 128>}, {pipeline_mode = #tpu.pipeline_mode<synchronous>, transform_indices = @transform_3, window_bounds = array<i64: 1, 128>}, {pipeline_mode = #tpu.pipeline_mode<synchronous>, transform_indices = @transform_4, window_bounds = array<i64: 128, 128>}, {transform_indices = @transform_5, window_bounds = array<i64: 1024, 128>}]} {
    %get3A = arith.constant 0 : index
    %get3A_0 = arith.constant 0 : index
    %get3A_1 = arith.constant 0 : index
    %get3A_2 = vector.load %arg3[%get3A, %get3A_0, %get3A_1] : memref<2x1024x128xf32, #tpu.memory_space<vmem>>, vector<1x1024x1xf32>
    %get3A_3 = vector.shape_cast %get3A_2 : vector<1x1024x1xf32> to vector<1024x1xf32>
    %get3A_4 = arith.constant 1 : index
    %get3A_5 = arith.constant 0 : index
    %get3A_6 = arith.constant 0 : index
    %get3A_7 = vector.load %arg3[%get3A_4, %get3A_5, %get3A_6] : memref<2x1024x128xf32, #tpu.memory_space<vmem>>, vector<1x1024x1xf32>
    %get3A_8 = vector.shape_cast %get3A_7 : vector<1x1024x1xf32> to vector<1024x1xf32>
    %add3A = arith.addf %get3A_3, %get3A_8 : vector<1024x1xf32>
    %add3A_9 = arith.constant 1.000000e+00 : f32
    %add3A_10 = vector.broadcast %add3A_9 : f32 to vector<1024x1xf32>
    %add3A_11 = arith.addf %add3A, %add3A_10 : vector<1024x1xf32>
    %rsqrt3A = math.rsqrt %add3A_11 : vector<1024x1xf32>
    %get3A_12 = arith.constant 0 : index
    %get3A_13 = arith.constant 0 : index
    %get3A_14 = arith.constant 0 : index
    %get3A_15 = vector.load %arg1[%get3A_12, %get3A_13, %get3A_14] : memref<2x1024x128xf32, #tpu.memory_space<vmem>>, vector<1x1024x128xf32>
    %get3A_16 = vector.shape_cast %get3A_15 : vector<1x1024x128xf32> to vector<1024x128xf32>
    %get3A_17 = arith.constant 1 : index
    %get3A_18 = arith.constant 0 : index
    %get3A_19 = arith.constant 0 : index
    %get3A_20 = vector.load %arg1[%get3A_17, %get3A_18, %get3A_19] : memref<2x1024x128xf32, #tpu.memory_space<vmem>>, vector<1x1024x128xf32>
    %get3A_21 = vector.shape_cast %get3A_20 : vector<1x1024x128xf32> to vector<1024x128xf32>
    %add3A_22 = arith.addf %get3A_16, %get3A_21 : vector<1024x128xf32>
    %get3A_23 = arith.constant 0 : index
    %get3A_24 = arith.constant 0 : index
    %get3A_25 = vector.load %arg2[%get3A_23, %get3A_24] : memref<1024x128xf32, #tpu.memory_space<vmem>>, vector<1024x128xf32>
    %add3A_26 = arith.addf %add3A_22, %get3A_25 : vector<1024x128xf32>
    %mul3A = vector.broadcast %rsqrt3A : vector<1024x1xf32> to vector<1024x128xf32>
    %mul3A_27 = arith.mulf %mul3A, %add3A_26 : vector<1024x128xf32>
    %get3A_28 = arith.constant 0 : index
    %get3A_29 = arith.constant 0 : index
    %get3A_30 = vector.load %arg4[%get3A_28, %get3A_29] : memref<1x128xf32, #tpu.memory_space<vmem>>, vector<1x128xf32>
    %add3A_31 = vector.broadcast %get3A_30 : vector<1x128xf32> to vector<1024x128xf32>
    %add3A_32 = arith.addf %mul3A_27, %add3A_31 : vector<1024x128xf32>
    %max3A = arith.constant 0.000000e+00 : f32
    %max3A_33 = vector.broadcast %max3A : f32 to vector<1024x128xf32>
    %max3A_34 = arith.maximumf %add3A_32, %max3A_33 : vector<1024x128xf32>
    %get3A_35 = arith.constant 0 : index
    %get3A_36 = arith.constant 0 : index
    %get3A_37 = vector.load %arg5[%get3A_35, %get3A_36] : memref<128x128xf32, #tpu.memory_space<vmem>>, vector<128x128xf32>
    %dot_general3A = arith.constant dense<0.000000e+00> : vector<1024x128xf32>
    %dot_general3A_38 = tpu.matmul %max3A_34, %get3A_37, %dot_general3A {dimension_numbers = #tpu.dot_dimension_numbers<[1], [0], [0], [1], [0, 0, 1, 1], [], []>, transpose_lhs_hint = false} : vector<1024x128xf32>, vector<128x128xf32>, vector<1024x128xf32> -> vector<1024x128xf32>
    %mul3A_39 = arith.constant 1024 : i32
    %mul3A_40 = arith.muli %arg0, %mul3A_39 : i32
    %iota3A = tpu.iota {dimensions = array<i32: 0>} : vector<1024x1xi32>
    %add3A_41 = vector.broadcast %mul3A_40 : i32 to vector<1024x1xi32>
    %add3A_42 = arith.addi %add3A_41, %iota3A : vector<1024x1xi32>
    %lt3A = arith.constant 10000 : i32
    %lt3A_43 = vector.broadcast %lt3A : i32 to vector<1024x1xi32>
    %lt3A_44 = arith.cmpi slt, %add3A_42, %lt3A_43 : vector<1024x1xi32>
    %mul3A_45 = vector.broadcast %rsqrt3A : vector<1024x1xf32> to vector<1024x128xf32>
    %mul3A_46 = arith.mulf %mul3A_45, %dot_general3A_38 : vector<1024x128xf32>
    %jit3A = arith.constant 0.000000e+00 : f32
    %broadcast_in_dim3A = vector.shape_cast %lt3A_44 : vector<1024x1xi1> to vector<1024x1xi1>
    %broadcast_in_dim3A_47 = vector.broadcast %broadcast_in_dim3A : vector<1024x1xi1> to vector<1024x128xi1>
    %broadcast_in_dim3A_48 = vector.broadcast %jit3A : f32 to vector<1024x128xf32>
    %select_n3A = arith.select %broadcast_in_dim3A_47, %mul3A_46, %broadcast_in_dim3A_48 : vector<1024x128xi1>, vector<1024x128xf32>
    %swap3A = arith.constant 0 : index
    %swap3A_49 = arith.constant 0 : index
    %swap3A_50 = vector.load %arg6[%swap3A, %swap3A_49] : memref<1024x128xf32, #tpu.memory_space<vmem>>, vector<1024x128xf32>
    tpu.vector_store %arg6[%swap3A, %swap3A_49], %select_n3A {strides = array<i32>} : memref<1024x128xf32, #tpu.memory_space<vmem>>, vector<1024x128xf32>,
    return
  }
  func.func @transform_0(%arg0: i32) -> (i32, i32, i32) {
    %c0_i32 = arith.constant 0 : i32
    %c0_i32_0 = arith.constant 0 : i32
    %c0_i32_1 = arith.constant 0 : i32
    return %c0_i32, %arg0, %c0_i32_0 : i32, i32, i32
  }
  func.func @transform_1(%arg0: i32) -> (i32, i32) {
    %c0_i32 = arith.constant 0 : i32
    %c0_i32_0 = arith.constant 0 : i32
    return %arg0, %c0_i32 : i32, i32
  }
  func.func @transform_2(%arg0: i32) -> (i32, i32, i32) {
    %c0_i32 = arith.constant 0 : i32
    %c0_i32_0 = arith.constant 0 : i32
    %c0_i32_1 = arith.constant 0 : i32
    return %c0_i32, %arg0, %c0_i32_0 : i32, i32, i32
  }
  func.func @transform_3(%arg0: i32) -> (i32, i32) {
    %c0_i32 = arith.constant 0 : i32
    %c0_i32_0 = arith.constant 0 : i32
    %c0_i32_1 = arith.constant 0 : i32
    return %c0_i32, %c0_i32_0 : i32, i32
  }
  func.func @transform_4(%arg0: i32) -> (i32, i32) {
    %c0_i32 = arith.constant 0 : i32
    %c0_i32_0 = arith.constant 0 : i32
    %c0_i32_1 = arith.constant 0 : i32
    return %c0_i32, %c0_i32_0 : i32, i32
  }
  func.func @transform_5(%arg0: i32) -> (i32, i32) {
    %c0_i32 = arith.constant 0 : i32
    %c0_i32_0 = arith.constant 0 : i32
    return %arg0, %c0_i32 : i32, i32
  }
}

module attributes {stable_mosaic.version = 14 : i64} {
  func.func @_last_body(%arg0: i32, %arg1: memref<2x1024x128xf32, #tpu.memory_space<vmem>>, %arg2: memref<1024x128xf32, #tpu.memory_space<vmem>>, %arg3: memref<2x1024x128xf32, #tpu.memory_space<vmem>>, %arg4: memref<1x128xf32, #tpu.memory_space<vmem>>, %arg5: memref<128x128xf32, #tpu.memory_space<vmem>>, %arg6: memref<1x128xf32, #tpu.memory_space<vmem>>, %arg7: memref<1024x128xf32, #tpu.memory_space<vmem>>) attributes {dimension_semantics = [#tpu.dimension_semantics<arbitrary>], iteration_bounds = array<i64: 10>, scalar_prefetch = 0 : i64, scratch_operands = 0 : i64, tpu.core_type = #tpu.core_type<tc>, window_params = [{transform_indices = @transform_0, window_bounds = array<i64: 2, 1024, 128>}, {transform_indices = @transform_1, window_bounds = array<i64: 1024, 128>}, {transform_indices = @transform_2, window_bounds = array<i64: 2, 1024, 128>}, {pipeline_mode = #tpu.pipeline_mode<synchronous>, transform_indices = @transform_3, window_bounds = array<i64: 1, 128>}, {pipeline_mode = #tpu.pipeline_mode<synchronous>, transform_indices = @transform_4, window_bounds = array<i64: 128, 128>}, {pipeline_mode = #tpu.pipeline_mode<synchronous>, transform_indices = @transform_5, window_bounds = array<i64: 1, 128>}, {transform_indices = @transform_6, window_bounds = array<i64: 1024, 128>}]} {
    %get3A = arith.constant 0 : index
    %get3A_0 = arith.constant 0 : index
    %get3A_1 = arith.constant 0 : index
    %get3A_2 = vector.load %arg3[%get3A, %get3A_0, %get3A_1] : memref<2x1024x128xf32, #tpu.memory_space<vmem>>, vector<1x1024x1xf32>
    %get3A_3 = vector.shape_cast %get3A_2 : vector<1x1024x1xf32> to vector<1024x1xf32>
    %get3A_4 = arith.constant 1 : index
    %get3A_5 = arith.constant 0 : index
    %get3A_6 = arith.constant 0 : index
    %get3A_7 = vector.load %arg3[%get3A_4, %get3A_5, %get3A_6] : memref<2x1024x128xf32, #tpu.memory_space<vmem>>, vector<1x1024x1xf32>
    %get3A_8 = vector.shape_cast %get3A_7 : vector<1x1024x1xf32> to vector<1024x1xf32>
    %add3A = arith.addf %get3A_3, %get3A_8 : vector<1024x1xf32>
    %add3A_9 = arith.constant 1.000000e+00 : f32
    %add3A_10 = vector.broadcast %add3A_9 : f32 to vector<1024x1xf32>
    %add3A_11 = arith.addf %add3A, %add3A_10 : vector<1024x1xf32>
    %rsqrt3A = math.rsqrt %add3A_11 : vector<1024x1xf32>
    %get3A_12 = arith.constant 0 : index
    %get3A_13 = arith.constant 0 : index
    %get3A_14 = arith.constant 0 : index
    %get3A_15 = vector.load %arg1[%get3A_12, %get3A_13, %get3A_14] : memref<2x1024x128xf32, #tpu.memory_space<vmem>>, vector<1x1024x128xf32>
    %get3A_16 = vector.shape_cast %get3A_15 : vector<1x1024x128xf32> to vector<1024x128xf32>
    %get3A_17 = arith.constant 1 : index
    %get3A_18 = arith.constant 0 : index
    %get3A_19 = arith.constant 0 : index
    %get3A_20 = vector.load %arg1[%get3A_17, %get3A_18, %get3A_19] : memref<2x1024x128xf32, #tpu.memory_space<vmem>>, vector<1x1024x128xf32>
    %get3A_21 = vector.shape_cast %get3A_20 : vector<1x1024x128xf32> to vector<1024x128xf32>
    %add3A_22 = arith.addf %get3A_16, %get3A_21 : vector<1024x128xf32>
    %get3A_23 = arith.constant 0 : index
    %get3A_24 = arith.constant 0 : index
    %get3A_25 = vector.load %arg2[%get3A_23, %get3A_24] : memref<1024x128xf32, #tpu.memory_space<vmem>>, vector<1024x128xf32>
    %add3A_26 = arith.addf %add3A_22, %get3A_25 : vector<1024x128xf32>
    %mul3A = vector.broadcast %rsqrt3A : vector<1024x1xf32> to vector<1024x128xf32>
    %mul3A_27 = arith.mulf %mul3A, %add3A_26 : vector<1024x128xf32>
    %get3A_28 = arith.constant 0 : index
    %get3A_29 = arith.constant 0 : index
    %get3A_30 = vector.load %arg4[%get3A_28, %get3A_29] : memref<1x128xf32, #tpu.memory_space<vmem>>, vector<1x128xf32>
    %add3A_31 = vector.broadcast %get3A_30 : vector<1x128xf32> to vector<1024x128xf32>
    %add3A_32 = arith.addf %mul3A_27, %add3A_31 : vector<1024x128xf32>
    %max3A = arith.constant 0.000000e+00 : f32
    %max3A_33 = vector.broadcast %max3A : f32 to vector<1024x128xf32>
    %max3A_34 = arith.maximumf %add3A_32, %max3A_33 : vector<1024x128xf32>
    %get3A_35 = arith.constant 0 : index
    %get3A_36 = arith.constant 0 : index
    %get3A_37 = vector.load %arg5[%get3A_35, %get3A_36] : memref<128x128xf32, #tpu.memory_space<vmem>>, vector<128x128xf32>
    %dot_general3A = arith.constant dense<0.000000e+00> : vector<1024x128xf32>
    %dot_general3A_38 = tpu.matmul %max3A_34, %get3A_37, %dot_general3A {dimension_numbers = #tpu.dot_dimension_numbers<[1], [0], [0], [1], [0, 0, 1, 1], [], []>, transpose_lhs_hint = false} : vector<1024x128xf32>, vector<128x128xf32>, vector<1024x128xf32> -> vector<1024x128xf32>
    %get3A_39 = arith.constant 0 : index
    %get3A_40 = arith.constant 0 : index
    %get3A_41 = vector.load %arg6[%get3A_39, %get3A_40] : memref<1x128xf32, #tpu.memory_space<vmem>>, vector<1x128xf32>
    %add3A_42 = vector.broadcast %get3A_41 : vector<1x128xf32> to vector<1024x128xf32>
    %add3A_43 = arith.addf %dot_general3A_38, %add3A_42 : vector<1024x128xf32>
    %swap3A = arith.constant 0 : index
    %swap3A_44 = arith.constant 0 : index
    %swap3A_45 = vector.load %arg7[%swap3A, %swap3A_44] : memref<1024x128xf32, #tpu.memory_space<vmem>>, vector<1024x128xf32>
    tpu.vector_store %arg7[%swap3A, %swap3A_44], %add3A_43 {strides = array<i32>} : memref<1024x128xf32, #tpu.memory_space<vmem>>, vector<1024x128xf32>,
    return
  }
  func.func @transform_0(%arg0: i32) -> (i32, i32, i32) {
    %c0_i32 = arith.constant 0 : i32
    %c0_i32_0 = arith.constant 0 : i32
    %c0_i32_1 = arith.constant 0 : i32
    return %c0_i32, %arg0, %c0_i32_0 : i32, i32, i32
  }
  func.func @transform_1(%arg0: i32) -> (i32, i32) {
    %c0_i32 = arith.constant 0 : i32
    %c0_i32_0 = arith.constant 0 : i32
    return %arg0, %c0_i32 : i32, i32
  }
  func.func @transform_2(%arg0: i32) -> (i32, i32, i32) {
    %c0_i32 = arith.constant 0 : i32
    %c0_i32_0 = arith.constant 0 : i32
    %c0_i32_1 = arith.constant 0 : i32
    return %c0_i32, %arg0, %c0_i32_0 : i32, i32, i32
  }
  func.func @transform_3(%arg0: i32) -> (i32, i32) {
    %c0_i32 = arith.constant 0 : i32
    %c0_i32_0 = arith.constant 0 : i32
    %c0_i32_1 = arith.constant 0 : i32
    return %c0_i32, %c0_i32_0 : i32, i32
  }
  func.func @transform_4(%arg0: i32) -> (i32, i32) {
    %c0_i32 = arith.constant 0 : i32
    %c0_i32_0 = arith.constant 0 : i32
    %c0_i32_1 = arith.constant 0 : i32
    return %c0_i32, %c0_i32_0 : i32, i32
  }
  func.func @transform_5(%arg0: i32) -> (i32, i32) {
    %c0_i32 = arith.constant 0 : i32
    %c0_i32_0 = arith.constant 0 : i32
    %c0_i32_1 = arith.constant 0 : i32
    return %c0_i32, %c0_i32_0 : i32, i32
  }
  func.func @transform_6(%arg0: i32) -> (i32, i32) {
    %c0_i32 = arith.constant 0 : i32
    %c0_i32_0 = arith.constant 0 : i32
    return %arg0, %c0_i32 : i32, i32
  }
}

</mosaic_0001>

<sc_bundles>
// kernel: kernel.11.cloned.1.call-start
scs
__scs_entry_jumppad:
0x0: {  	(pc) =	sbr.rel $0x88, $3  }
0x1: {  	(tag) =	ssettag $0x0;
	lr =	simm.s32 $0x1  }
0x2: {  	[smem:$0x3F99] =	sst lr;
	_ =	strace $0xD0000000  }
0x3: {  	_ = 	snop  }
0x4: {  	_ = 	snop  }
0x5: {  	_ = 	snop  }
0x6: {  	_ = 	snop  }
0x7: {  	_ = 	snop  }
__scs_overlays_trampoline_lowered:
0x8: {  	[smem:$0x3FA8] =	sst s0  }
0x9: {  	[smem:$0x3FA9] =	sst s1  }
0xa: {  	[smem:$0x3FAA] =	sst s2  }
0xb: {  	[smem:$0x3FAB] =	sst s3  }
0xc: {  	[smem:$0x3FAC] =	sst s4  }
0xd: {  	[smem:$0x3FAD] =	sst s5  }
0xe: {  	[smem:$0x3FAE] =	sst s6  }
0xf: {  	[smem:$0x3FAF] =	sst s7  }
0x10: {  	[smem:$0x3FB0] =	sst s8  }
0x11: {  	[smem:$0x3FB1] =	sst s9;
	s0 =	simm.s32 @!p0 $0x0  }
0x12: {  	s1 =	sld [smem:$0x3F97];
	s0 =	simm.s32 @p0 $0x1  }
0x13: {  	[smem:$0x3FB2] =	sst s0;
	s0 =	simm.s32 @!p1 $0x0  }
0x14: {  	s2 =	sld [smem:$0x3F96];
	s0 =	simm.s32 @p1 $0x1  }
0x15: {  	[smem:$0x3FB3] =	sst s0;
	s0 =	simm.s32 @!p2 $0x0  }
0x16: {  	s3 =	sld [smem:$0x3FDB];
	s0 =	simm.s32 @p2 $0x1  }
0x17: {  	s4 =	simm.s32 $0x1BF5;
	[smem:$0x3FB5] =	sst s0  }
0x18: {  	s0 =	sld [smem:$0x3F98];
	_ =	swait.ge [sflag:s4], $0x0  }
0x19: {  	s7 =	sld [smem:$0x3F99]  }
0x1a: {  	s8 =	sadd.s32 $0xFFFFE003, lr  }
0x1b: {  	s9 =	sadd.s32 $0xFFFFFEF7, lr;
	s5 =	simm.s32 $0xFFFFFFFF;
	p2 =	slt.u32 s8, $0xFFFFF086  }
0x1c: {  	p1 =	slt.u32 s9, $0xF7A;
	s5 =	simm.s32 @!p2 $0x0  }
0x1d: {  	s5 =	simm.s32 @p1 $0x1;
	p0 =	seq.s32 s7, s2  }
0x1e: {  	s7 =	smul.u32 @!p0 $0xF7A, s2;
	p2 =	seq.s32 @!p0 s5, $0x0  }
0x1f: {  	s9 =	smul.u32 $0xF7A, s1;
	s8 =	simm.s32 @!p0 $0x1BF5;
	p2 =	por !p2, p0  }
0x20: {  	[sflag:s8] =	ssyncset.s32 @!p0 $0xFFFFF086;
	s6 =	sadd.s32 @!p0 s3, s7;
	s7 =	simm.s32 @!p0 $0x108  }
0x21: {  	s3 =	sadd.s32 s3, s9;
	s6 =	sadd.s32 @!p0 $0x88, s6;
	s7 =	simm.s32 @p2 $0x1082  }
0x22: {  	[simem:s7], [sflag:s8] =	dma.local @!p0 [hbm:s6], $0xF7A  }
0x23: {  	s9 =	sor.u32 $0xD0000000, s2;
	s6 =	simm.s32 $0x108;
	_ =	swait.ge @!p0 [sflag:s8], $0x0  }
0x24: {  	s3 =	sadd.s32 $0x88, s3;
	s6 =	simm.s32 @!p1 $0x1082;
	[sflag:s4] =	ssyncset.s32 $0xFFFFF086  }
0x25: {  	[simem:s6], [sflag:s4] =	dma.local [hbm:s3], $0xF7A  }
0x26: {  	[smem:$0x3F99] =	sst s1;
	(tag) =	ssettag s2;
	_ =	strace s9  }
0x27: {  	s1 =	sld [smem:$0x3FA9]  }
0x28: {  	s2 =	sld [smem:$0x3FAA]  }
0x29: {  	s4 =	sld [smem:$0x3FAC]  }
0x2a: {  	p0 =	seq.s32 s5, $0x0;
	s5 =	sld [smem:$0x3FAD]  }
0x2b: {  	s6 =	sld [smem:$0x3FAE]  }
0x2c: {  	s7 =	sld [smem:$0x3FAF]  }
0x2d: {  	s3 =	simm.s32 $0x108;
	s8 =	sld [smem:$0x3FB0]  }
0x2e: {  	s3 =	simm.s32 @!p0 $0x1082;
	s9 =	sld [smem:$0x3FB1]  }
0x2f: {  	lr =	sadd.s32 s0, s3;
	s0 =	sld [smem:$0x3FA8]  }
0x30: {  	s3 =	sld [smem:$0x3FAB]  }
0x31: {  	[smem:$0x3FB4] =	sst s10  }
0x32: {  	s10 =	sld [smem:$0x3FB2];
	_ =	sdelay $0x3  }
0x33: {  	p0 =	seq.s32 s10, $0x1;
	s10 =	sld [smem:$0x3FB4];
	_ =	sdelay $0x3  }
0x34: {  	[smem:$0x3FB4] =	sst s10  }
0x35: {  	s10 =	sld [smem:$0x3FB3];
	_ =	sdelay $0x3  }
0x36: {  	p1 =	seq.s32 s10, $0x1;
	s10 =	sld [smem:$0x3FB4];
	_ =	sdelay $0x3  }
0x37: {  	[smem:$0x3FB4] =	sst s10  }
0x38: {  	s10 =	sld [smem:$0x3FB5]  }
0x39: {  	_ = 	snop;
	(pc) =	sbr.ind lr, $3  }
0x3a: {  	_ = 	snop  }
0x3b: {  	_ = 	snop  }
0x3c: {  	p2 =	seq.s32 s10, $0x1;
	s10 =	sld [smem:$0x3FB4]  }
0x3d: {  	_ =	shalt  }
0x3e: {  	_ =	shalt  }
0x3f: {  	_ =	shalt  }
0x40: {  	_ =	shalt  }
0x41: {  	_ =	shalt  }
0x42: {  	_ =	shalt  }
0x43: {  	_ =	shalt  }
0x44: {  	_ =	shalt  }
0x45: {  	_ =	shalt  }
0x46: {  	_ =	shalt  }
0x47: {  	_ =	shalt  }
0x48: {  	_ =	shalt  }
0x49: {  	_ =	shalt  }
0x4a: {  	_ =	shalt  }
0x4b: {  	_ =	shalt  }
0x4c: {  	_ =	shalt  }
0x4d: {  	_ =	shalt  }
0x4e: {  	_ =	shalt  }
0x4f: {  	_ =	shalt  }
0x50: {  	_ =	shalt  }
0x51: {  	_ =	shalt  }
0x52: {  	_ =	shalt  }
0x53: {  	_ =	shalt  }
0x54: {  	_ =	shalt  }
0x55: {  	_ =	shalt  }
0x56: {  	_ =	shalt  }
0x57: {  	_ =	shalt  }
0x58: {  	_ =	shalt  }
0x59: {  	_ =	shalt  }
0x5a: {  	_ =	shalt  }
0x5b: {  	_ =	shalt  }
0x5c: {  	_ =	shalt  }
0x5d: {  	_ =	shalt  }
0x5e: {  	_ =	shalt  }
0x5f: {  	_ =	shalt  }
0x60: {  	_ =	shalt  }
0x61: {  	_ =	shalt  }
0x62: {  	_ =	shalt  }
0x63: {  	_ =	shalt  }
0x64: {  	_ =	shalt  }
0x65: {  	_ =	shalt  }
0x66: {  	_ =	shalt  }
0x67: {  	_ =	shalt  }
0x68: {  	_ =	shalt  }
0x69: {  	_ =	shalt  }
0x6a: {  	_ =	shalt  }
0x6b: {  	_ =	shalt  }
0x6c: {  	_ =	shalt  }
0x6d: {  	_ =	shalt  }
0x6e: {  	_ =	shalt  }
0x6f: {  	_ =	shalt  }
0x70: {  	_ =	shalt  }
0x71: {  	_ =	shalt  }
0x72: {  	_ =	shalt  }
0x73: {  	_ =	shalt  }
0x74: {  	_ =	shalt  }
0x75: {  	_ =	shalt  }
0x76: {  	_ =	shalt  }
0x77: {  	_ =	shalt  }
0x78: {  	_ =	shalt  }
0x79: {  	_ =	shalt  }
0x7a: {  	_ =	shalt  }
0x7b: {  	_ =	shalt  }
0x7c: {  	_ =	shalt  }
0x7d: {  	_ =	shalt  }
0x7e: {  	_ =	shalt  }
0x7f: {  	_ =	shalt  }
0x80: {  	_ =	shalt  }
0x81: {  	_ =	shalt  }
0x82: {  	_ =	shalt  }
0x83: {  	_ =	shalt  }
0x84: {  	_ =	shalt  }
0x85: {  	_ =	shalt  }
0x86: {  	_ =	shalt  }
0x87: {  	_ =	shalt  }
.Lfunc_end0:
.L_simem_size_0:
called_computation.1_lowered:
.L_overlay_start_0:
0x88: {  	s2 =	sld [smem:$0x3FD9]  }
0x89: {  	s3 =	sld [smem:$0x3FFE];
	_ =	sdelay $0x1  }
0x8a: {  	s1 =	srdreg.scid  }
0x8b: {  	s0 =	sand.u32 $0x1, s1  }
0x8c: {  	s17 =	sshll.u32 s0, $0xA;
	s2 =	sadd.s32 s3, s2  }
0x8d: {  	s2 =	sadd.s32 s2, s17  }
0x8e: {  	[smem:$0x3FC0] =	sst s2  }
0x8f: {  	_ = 	snop  }
0x90: {  	s2 =	sld [smem:$0x3FD0];
	(tm) =	ssettm $0x1  }
0x91: {  	s18 =	sld [smem:$0x3FFB];
	_ =	sdelay $0x3  }
0x92: {  	_ =	strace s18  }
0x93: {  	s3 =	sld [smem:$0x3FFC];
	_ =	sdelay $0x3  }
0x94: {  	_ =	strace s3  }
0x95: {  	s3 =	sld [smem:$0x3FFD];
	_ =	sdelay $0x3  }
0x96: {  	_ =	strace s3  }
0x97: {  	_ =	strace $0x8FFFFFFF  }
0x98: {  	s19 =	sld [smem:$0x3FDB];
	_ =	sdelay $0x1  }
0x99: {  	s4 =	simm.s32 $_scs_section_size  }
0x9a: {  	s5 =	simm.s32 $_size__tile_overlayer_lowered;
	s6 =	simm.s32 $_tile_overlayer_lowered  }
0x9b: {  	s22 =	simm.s32 $0x1BFF;
	s21 =	sshll.u32 s6, $0x1;
	s3 =	sadd.s32 s4, s19  }
0x9c: {  	s7 =	simm.s32 $0x0;
	s20 =	sshll.u32 s5, $0x1;
	s5 =	sadd.s32 s21, s3  }
0x9d: {  	[timem:s7], [sflag:s22] =	dma.local [hbm:s5], s20  }
0x9e: {  	_ =	swait.ge [sflag:s22], s20  }
0x9f: {  	s4 =	ssub.s32 $0x0, s20;
	[sflag:s22] =	ssyncset.done $0x0  }
0xa0: {  	[sflag:s22] =	ssyncadd.s32 s4;
	_ =	sdelay $0x1  }
0xa1: {  	s23 =	simm.s32 $0x1B8B  }
0xa2: {  	_ =	swait.ge [sflag:s23], $0x1  }
0xa3: {  	[sflag:s23] =	ssyncset.done $0x0  }
0xa4: {  	s25 =	simm.s32 $0x1B8E;
	s24 =	sld [smem:$0x3FFE];
	[sflag:s23] =	ssyncadd.s32 $0xFFFFFFFF  }
0xa5: {  	s26 =	simm.s32 $execute0_lowered;
	[smem:$0x3FD2] =	sst s25  }
0xa6: {  	s5 =	sshll.u32 s26, $0x1;
	_ =	strace $0x80000049;
	[dreg:$0x1] =	wrdreg $0xFFFFFFFF  }
0xa7: {  	s28 =	simm.s32 $_size_execute0_lowered;
	s3 =	sadd.s32 s3, s5;
	[dreg:$0x0] =	wrdreg $0x0  }
0xa8: {  	s5 =	sshll.u32 s28, $0x1;
	[dreg:$0x2] =	wrdreg s3  }
0xa9: {  	[dreg:$0x3] =	wrdreg s5  }
0xaa: {  	[dreg:$0x4] =	wrdreg $0xC0  }
0xab: {  	_ =	task [dreg:s7], $0x5FFFF  }
0xac: {  	[dreg:$0x1] =	wrdreg $0xFFFFFFFF  }
0xad: {  	[dreg:$0x0] =	wrdreg $0x60  }
0xae: {  	[dreg:$0x2] =	wrdreg s24  }
0xaf: {  	[dreg:$0x3] =	wrdreg s2  }
0xb0: {  	[dreg:$0x4] =	wrdreg $0x41000  }
0xb1: {  	[dreg:$0x5] =	wrdreg $0x9  }
0xb2: {  	_ =	task.clear_ibuf [dreg:s7], $0x6FFFF;
	_ =	strace $0x90000049  }
0xb3: {  	s29 =	simm.s32 $0x9;
	_ =	strace $0x8000004B  }
0xb4: {  	_ =	swait.ge [sflag:s29], $0x1  }
0xb5: {  	[sflag:s29] =	ssyncadd.s32 $0xFFFFFFFF  }
0xb6: {  	_ =	strace $0x9000004B  }
0xb7: {  	_ =	sfence  }
0xb8: {  	s30 =	sld [smem:$0x0];
	_ =	sdelay $0x2  }
0xb9: {  	s31 =	sshll.u32 s1, $0xD;
	s1 =	sshrl.u32 s1, $0x2  }
0xba: {  	s3 =	sand.u32 $0x4000, s31;
	s1 =	sadd.s32 s1, s30  }
0xbb: {  	s0 =	sor.u32 s3, s0;
	s1 =	sshll.u32 s1, $0x11  }
0xbc: {  	s0 =	sor.u32 s1, s0  }
0xbd: {  	s0 =	sadd.s32 $0x8F2B, s0  }
0xbe: {  	[sflag:s0] =	ssyncadd.remote.s32 $0x1  }
0xbf: {  	_ =	sfence.sel $0xFFFF  }
0xc0: {  	[dreg:$0x0] =	wrdreg $0xFFFFFFFF;
	(pc) =	sbr.abs _section_cstart, $3  }
0xc1: {  	[dreg:$0x1] =	wrdreg $0xFFFFFFFF  }
0xc2: {  	_ =	task.clear_ibuf [dreg:s7], $0x2FFFF;
	_ =	strace $0x9FFFFFFF  }
0xc3: {  	(tm) =	ssettm $0x7FFFFFFF  }
tec
execute0_lowered:
.L_overlay_start_1:
0x0: {  	(tag) =	ssettag $0x1  }
0x1: {  	s7 =	rddreg [dreg:$0x0]  }
0x2: {  	s1 =	rddreg [dreg:$0x1]  }
0x3: {  	s2 =	rddreg [dreg:$0x2]  }
0x4: {  	s0 =	rddreg [dreg:$0x3];
	s3 =	simm.s32 $0x0  }
0x5: {  	s6 =	srdreg.scid;
	s11 =	stileid.u32;
	s13 =	simm.s32 $0x100  }
0x6: {  	s14 =	simm.s32 $0x0;
	[smem:$0x7FF] =	sst s3;
	s4 =	sadd.s32 $0x84E00, s7  }
0x7: {  	s5 =	sadd.s32 $0x7AE00, s7;
	s8 =	sand.u32 $0x1, s6;
	s6 =	sadd.s32 $0x2E00, s7  }
0x8: {  	p0 =	sne.s32 s11, $0x0;
	s9 =	smul.u32 $0x28000, s8;
	s10 =	ssub.s32 $0x2, s8  }
0x9: {  	_ =	strace $0x8000004A;
	s8 =	sshll.u32 s8, $0x4;
	s12 =	sshrl.u32 s10, $0x1  }
0xa: {  	s31 =	sor.u32 s11, s8;
	s11 =	simm.s32 $0x1;
	s9 =	sadd.s32 s9, s7  }
0xb: {  	s10 =	ssub.s32 s10, s12;
	s7 =	smul.u32 $0x2800, s31;
	s12 =	simm.s32 $0x80  }
0xc: {  	s8 =	sadd.s32 $0xACE00, s9;
	s9 =	smax.u32 s10, $0x1;
	s10 =	sshrl.u32 @!p0 s2, $0x3  }
.LBB2_1:
0xd: {  	s15 =	simm.s32 @!p0 $0x1C01  }
0xe: {  	[spmem:s10], [sflag:s15] =	dma.local @!p0 [hbm:s6], $0x28000  }
0xf: {  	s16 =	sand.u32 $0x3C00, s3;
	s15 =	simm.s32 @!p0 $0x1  }
0x10: {  	s17 =	sand.u32 $0x380, s3;
	s16 =	sadd.s32 s7, s16;
	_ =	swait.ge @!p0 [sflag:s15], $0x28000  }
0x11: {  	s16 =	sor.u32 s17, s16;
	[sflag:s15] =	ssyncset.done @!p0 $0x0  }
0x12: {  	s28 =	sshrl.u32 s16, $0x3;
	[sflag:s15] =	ssyncadd.s32 @!p0 $0xFFFD8000  }
0x13: {  	s16 =	sadd.s32 s5, s28;
	[bflag:$0x0] =	sbarrier.arrive $0xFFFF  }
0x14: {  	[tilespmem:s3], [sflag:$0x1] =	stream.linear.gather [hbm4b:s16+s3], $0x80, $0x38;
	[tilespmem:$0x18100] =	vst v63  }
0x15: {  	_ =	swait.ge [sflag:s11], $0x80  }
0x16: {  	[sflag:s11] =	ssyncset.done $0x0  }
0x17: {  	[sflag:s11] =	ssyncadd.s32 $0xFFFFFF80  }
0x18: {  	[tilespmem:s13], [sflag:$0x1] =	stream.indirect.gather [hbm4b:s4+s12], $0x80, s3, s12, $0xb8;
	[tilespmem:$0x18100] =	vst v63  }
0x19: {  	_ =	swait.ge [sflag:s11], $0x4000  }
0x1a: {  	[sflag:s11] =	ssyncset.done $0x0  }
0x1b: {  	s15 =	sadd.s32 s1, s28;
	[sflag:s11] =	ssyncadd.s32 $0xFFFFC000  }
0x1c: {  	[tilespmem:s12], [sflag:$0x1] =	stream.linear.gather [hbm4b:s15+s3], $0x80, $0x38;
	[tilespmem:$0x18100] =	vst v63  }
0x1d: {  	_ =	swait.ge [sflag:s11], $0x80  }
0x1e: {  	s29 =	simm.s32 $0x80;
	[sflag:s11] =	ssyncset.done $0x0  }
0x1f: {  	s30 =	sand.u32 $0x3C00, s29;
	[sflag:s11] =	ssyncadd.s32 $0xFFFFFF80  }
0x20: {  	[spmem:s2] =	stream.indirect.scatter.add.f32 [tilespmem:s13], [sflag:$0x1], $0x80, s12, s12, $0xb8;
	[tilespmem:$0x18100] =	vst v63  }
0x21: {  	s31 =	sand.u32 $0x380, s29;
	s16 =	sadd.s32 s7, s30;
	_ =	swait.ge [sflag:s11], $0x4000  }
0x22: {  	s16 =	sor.u32 s31, s16;
	s15 =	simm.s32 $0x100;
	[sflag:s11] =	ssyncset.done $0x0  }
.LBB2_2:
0x23: {  	s16 =	sshrl.u32 s16, $0x3  }
0x24: {  	[sflag:s11] =	ssyncadd.s32 $0xFFFFC000;
	s17 =	smov.u32 s15;
	s18 =	sadd.s32 $0x80, s15  }
0x25: {  	p1 =	sne.s32 s15, $0x2700;
	s15 =	sadd.s32 s5, s16  }
0x26: {  	[tilespmem:s3], [sflag:$0x1] =	stream.linear.gather [hbm4b:s15+s3], $0x80, $0x38;
	[tilespmem:$0x18100] =	vst v63  }
0x27: {  	_ =	swait.ge [sflag:s11], $0x80  }
0x28: {  	[sflag:s11] =	ssyncset.done $0x0  }
0x29: {  	[sflag:s11] =	ssyncadd.s32 $0xFFFFFF80  }
0x2a: {  	[tilespmem:s13], [sflag:$0x1] =	stream.indirect.gather [hbm4b:s4+s12], $0x80, s3, s12, $0xb8;
	[tilespmem:$0x18100] =	vst v63  }
0x2b: {  	_ =	swait.ge [sflag:s11], $0x4000  }
0x2c: {  	[sflag:s11] =	ssyncset.done $0x0  }
0x2d: {  	s15 =	sadd.s32 s1, s16;
	[sflag:s11] =	ssyncadd.s32 $0xFFFFC000  }
0x2e: {  	[tilespmem:s12], [sflag:$0x1] =	stream.linear.gather [hbm4b:s15+s3], $0x80, $0x38;
	[tilespmem:$0x18100] =	vst v63  }
0x2f: {  	_ =	swait.ge [sflag:s11], $0x80  }
.Ltmp0:
0x30: {  	[sflag:s11] =	ssyncset.done $0x0;
	(pc) =	sbr.rel @p1 .LBB2_2-.Ltmp0, $4  }
0x31: {  	s15 =	sand.u32 $0x3C00, s17;
	[sflag:s11] =	ssyncadd.s32 $0xFFFFFF80  }
0x32: {  	[spmem:s2] =	stream.indirect.scatter.add.f32 [tilespmem:s13], [sflag:$0x1], $0x80, s12, s12, $0xb8;
	[tilespmem:$0x18100] =	vst v63  }
0x33: {  	s16 =	sand.u32 $0x380, s17;
	s15 =	sadd.s32 s7, s15;
	_ =	swait.ge [sflag:s11], $0x4000  }
0x34: {  	s16 =	sor.u32 s16, s15;
	s15 =	smov.u32 s18;
	[sflag:s11] =	ssyncset.done $0x0  }
0x35: {  	s15 =	sshrl.u32 s16, $0x3  }
0x36: {  	[sflag:s11] =	ssyncadd.s32 $0xFFFFC000;
	s16 =	sadd.s32 s5, s15  }
0x37: {  	[tilespmem:s3], [sflag:$0x1] =	stream.linear.gather [hbm4b:s16+s3], $0x80, $0x38;
	[tilespmem:$0x18100] =	vst v63  }
0x38: {  	_ =	swait.ge [sflag:s11], $0x80  }
0x39: {  	[sflag:s11] =	ssyncset.done $0x0  }
0x3a: {  	[sflag:s11] =	ssyncadd.s32 $0xFFFFFF80  }
0x3b: {  	[tilespmem:s13], [sflag:$0x1] =	stream.indirect.gather [hbm4b:s4+s12], $0x80, s3, s12, $0xb8;
	[tilespmem:$0x18100] =	vst v63  }
0x3c: {  	_ =	swait.ge [sflag:s11], $0x4000  }
0x3d: {  	[sflag:s11] =	ssyncset.done $0x0  }
0x3e: {  	s15 =	sadd.s32 s1, s15;
	[sflag:s11] =	ssyncadd.s32 $0xFFFFC000  }
0x3f: {  	[tilespmem:s12], [sflag:$0x1] =	stream.linear.gather [hbm4b:s15+s3], $0x80, $0x38;
	[tilespmem:$0x18100] =	vst v63  }
0x40: {  	_ =	swait.ge [sflag:s11], $0x80  }
0x41: {  	[sflag:s11] =	ssyncset.done $0x0  }
0x42: {  	[sflag:s11] =	ssyncadd.s32 $0xFFFFFF80  }
0x43: {  	[spmem:s2] =	stream.indirect.scatter.add.f32 [tilespmem:s13], [sflag:$0x1], $0x80, s12, s12, $0xb8;
	[tilespmem:$0x18100] =	vst v63  }
0x44: {  	_ =	swait.ge [sflag:s11], $0x4000  }
0x45: {  	[sflag:s11] =	ssyncset.done $0x0  }
0x46: {  	s14 =	sadd.s32 $0x1, s14;
	[sflag:s11] =	ssyncadd.s32 $0xFFFFC000  }
0x47: {  	p1 =	sne.s32 s14, s9;
	s15 =	simm.s32 @!p0 $0x1C01;
	[bflag:$0x0] =	sbarrier.arrive $0xFFFF  }
0x48: {  	[hbm:s8], [sflag:s15] =	dma.local @!p0 [spmem:s10], $0x28000  }
.Ltmp1:
0x49: {  	_ = 	snop;
	(pc) =	sbr.rel @p1 .LBB2_1-.Ltmp1, $4  }
0x4a: {  	s15 =	simm.s32 @!p0 $0x1  }
0x4b: {  	_ =	swait.ge @!p0 [sflag:s15], $0x28000  }
0x4c: {  	[sflag:s15] =	ssyncset.done @!p0 $0x0  }
0x4d: {  	[sflag:s15] =	ssyncadd.s32 @!p0 $0xFFFD8000  }
0x4e: {  	_ =	sfence.sel $0x180000  }
0x4f: {  	[bflag:$0x0] =	sbarrier.arrive $0xFFFF  }
0x50: {  	_ =	strace $0x9000004A  }
0x51: {  	s0 =	sadd.s32 @!p0 $0x100000, s0;
	[bflag:$0x2] =	sbarrier.arrive $0xFFFF  }
0x52: {  	[sflag:s0] =	ssyncadd.tile.s32 @!p0 $0x1;
	_ =	shalt  }
.Lfunc_end2:
_tile_overlayer_lowered:
.L_overlay_start_2:
0x53: {  	(tag) =	ssettag $0x2  }
0x54: {  	s0 =	rddreg [dreg:$0x0];
	s2 =	stileid.u32  }
0x55: {  	s1 =	rddreg [dreg:$0x1];
	p0 =	sne.s32 s2, $0x0  }
0x56: {  	s3 =	rddreg [dreg:$0x2];
	[bflag:$0x3] =	sbarrier.arrive $0xFFFF;
	s2 =	simm.s32 @!p0 $0x1C01  }
0x57: {  	[timem:s3], [sflag:s2] =	dma.local @!p0 [hbm:s0], s1  }
0x58: {  	s0 =	simm.s32 @!p0 $0x1  }
0x59: {  	_ =	swait.ge @!p0 [sflag:s0], s1  }
0x5a: {  	s1 =	ssub.s32 @!p0 $0x0, s1;
	[sflag:s0] =	ssyncset.done @!p0 $0x0  }
0x5b: {  	[sflag:s0] =	ssyncadd.s32 @!p0 s1  }
0x5c: {  	[bflag:$0x3] =	sbarrier.arrive $0xFFFF  }
0x5d: {  	_ =	shalt  }

// kernel: kernel.14.cloned.1.call-start
scs
__scs_entry_jumppad:
0x0: {  	(pc) =	sbr.rel $0x88, $3  }
0x1: {  	(tag) =	ssettag $0x0;
	lr =	simm.s32 $0x1  }
0x2: {  	[smem:$0x3F99] =	sst lr;
	_ =	strace $0xD0000000  }
0x3: {  	_ = 	snop  }
0x4: {  	_ = 	snop  }
0x5: {  	_ = 	snop  }
0x6: {  	_ = 	snop  }
0x7: {  	_ = 	snop  }
__scs_overlays_trampoline_lowered:
0x8: {  	[smem:$0x3FA8] =	sst s0  }
0x9: {  	[smem:$0x3FA9] =	sst s1  }
0xa: {  	[smem:$0x3FAA] =	sst s2  }
0xb: {  	[smem:$0x3FAB] =	sst s3  }
0xc: {  	[smem:$0x3FAC] =	sst s4  }
0xd: {  	[smem:$0x3FAD] =	sst s5  }
0xe: {  	[smem:$0x3FAE] =	sst s6  }
0xf: {  	[smem:$0x3FAF] =	sst s7  }
0x10: {  	[smem:$0x3FB0] =	sst s8  }
0x11: {  	[smem:$0x3FB1] =	sst s9;
	s0 =	simm.s32 @!p0 $0x0  }
0x12: {  	s1 =	sld [smem:$0x3F97];
	s0 =	simm.s32 @p0 $0x1  }
0x13: {  	[smem:$0x3FB2] =	sst s0;
	s0 =	simm.s32 @!p1 $0x0  }
0x14: {  	s2 =	sld [smem:$0x3F96];
	s0 =	simm.s32 @p1 $0x1  }
0x15: {  	[smem:$0x3FB3] =	sst s0;
	s0 =	simm.s32 @!p2 $0x0  }
0x16: {  	s3 =	sld [smem:$0x3FDB];
	s0 =	simm.s32 @p2 $0x1  }
0x17: {  	s4 =	simm.s32 $0x1BF5;
	[smem:$0x3FB5] =	sst s0  }
0x18: {  	s0 =	sld [smem:$0x3F98];
	_ =	swait.ge [sflag:s4], $0x0  }
0x19: {  	s7 =	sld [smem:$0x3F99]  }
0x1a: {  	s8 =	sadd.s32 $0xFFFFE003, lr  }
0x1b: {  	s9 =	sadd.s32 $0xFFFFFEF7, lr;
	s5 =	simm.s32 $0xFFFFFFFF;
	p2 =	slt.u32 s8, $0xFFFFF086  }
0x1c: {  	p1 =	slt.u32 s9, $0xF7A;
	s5 =	simm.s32 @!p2 $0x0  }
0x1d: {  	s5 =	simm.s32 @p1 $0x1;
	p0 =	seq.s32 s7, s2  }
0x1e: {  	s7 =	smul.u32 @!p0 $0xF7A, s2;
	p2 =	seq.s32 @!p0 s5, $0x0  }
0x1f: {  	s9 =	smul.u32 $0xF7A, s1;
	s8 =	simm.s32 @!p0 $0x1BF5;
	p2 =	por !p2, p0  }
0x20: {  	[sflag:s8] =	ssyncset.s32 @!p0 $0xFFFFF086;
	s6 =	sadd.s32 @!p0 s3, s7;
	s7 =	simm.s32 @!p0 $0x108  }
0x21: {  	s3 =	sadd.s32 s3, s9;
	s6 =	sadd.s32 @!p0 $0x88, s6;
	s7 =	simm.s32 @p2 $0x1082  }
0x22: {  	[simem:s7], [sflag:s8] =	dma.local @!p0 [hbm:s6], $0xF7A  }
0x23: {  	s9 =	sor.u32 $0xD0000000, s2;
	s6 =	simm.s32 $0x108;
	_ =	swait.ge @!p0 [sflag:s8], $0x0  }
0x24: {  	s3 =	sadd.s32 $0x88, s3;
	s6 =	simm.s32 @!p1 $0x1082;
	[sflag:s4] =	ssyncset.s32 $0xFFFFF086  }
0x25: {  	[simem:s6], [sflag:s4] =	dma.local [hbm:s3], $0xF7A  }
0x26: {  	[smem:$0x3F99] =	sst s1;
	(tag) =	ssettag s2;
	_ =	strace s9  }
0x27: {  	s1 =	sld [smem:$0x3FA9]  }
0x28: {  	s2 =	sld [smem:$0x3FAA]  }
0x29: {  	s4 =	sld [smem:$0x3FAC]  }
0x2a: {  	p0 =	seq.s32 s5, $0x0;
	s5 =	sld [smem:$0x3FAD]  }
0x2b: {  	s6 =	sld [smem:$0x3FAE]  }
0x2c: {  	s7 =	sld [smem:$0x3FAF]  }
0x2d: {  	s3 =	simm.s32 $0x108;
	s8 =	sld [smem:$0x3FB0]  }
0x2e: {  	s3 =	simm.s32 @!p0 $0x1082;
	s9 =	sld [smem:$0x3FB1]  }
0x2f: {  	lr =	sadd.s32 s0, s3;
	s0 =	sld [smem:$0x3FA8]  }
0x30: {  	s3 =	sld [smem:$0x3FAB]  }
0x31: {  	[smem:$0x3FB4] =	sst s10  }
0x32: {  	s10 =	sld [smem:$0x3FB2];
	_ =	sdelay $0x3  }
0x33: {  	p0 =	seq.s32 s10, $0x1;
	s10 =	sld [smem:$0x3FB4];
	_ =	sdelay $0x3  }
0x34: {  	[smem:$0x3FB4] =	sst s10  }
0x35: {  	s10 =	sld [smem:$0x3FB3];
	_ =	sdelay $0x3  }
0x36: {  	p1 =	seq.s32 s10, $0x1;
	s10 =	sld [smem:$0x3FB4];
	_ =	sdelay $0x3  }
0x37: {  	[smem:$0x3FB4] =	sst s10  }
0x38: {  	s10 =	sld [smem:$0x3FB5]  }
0x39: {  	_ = 	snop;
	(pc) =	sbr.ind lr, $3  }
0x3a: {  	_ = 	snop  }
0x3b: {  	_ = 	snop  }
0x3c: {  	p2 =	seq.s32 s10, $0x1;
	s10 =	sld [smem:$0x3FB4]  }
0x3d: {  	_ =	shalt  }
0x3e: {  	_ =	shalt  }
0x3f: {  	_ =	shalt  }
0x40: {  	_ =	shalt  }
0x41: {  	_ =	shalt  }
0x42: {  	_ =	shalt  }
0x43: {  	_ =	shalt  }
0x44: {  	_ =	shalt  }
0x45: {  	_ =	shalt  }
0x46: {  	_ =	shalt  }
0x47: {  	_ =	shalt  }
0x48: {  	_ =	shalt  }
0x49: {  	_ =	shalt  }
0x4a: {  	_ =	shalt  }
0x4b: {  	_ =	shalt  }
0x4c: {  	_ =	shalt  }
0x4d: {  	_ =	shalt  }
0x4e: {  	_ =	shalt  }
0x4f: {  	_ =	shalt  }
0x50: {  	_ =	shalt  }
0x51: {  	_ =	shalt  }
0x52: {  	_ =	shalt  }
0x53: {  	_ =	shalt  }
0x54: {  	_ =	shalt  }
0x55: {  	_ =	shalt  }
0x56: {  	_ =	shalt  }
0x57: {  	_ =	shalt  }
0x58: {  	_ =	shalt  }
0x59: {  	_ =	shalt  }
0x5a: {  	_ =	shalt  }
0x5b: {  	_ =	shalt  }
0x5c: {  	_ =	shalt  }
0x5d: {  	_ =	shalt  }
0x5e: {  	_ =	shalt  }
0x5f: {  	_ =	shalt  }
0x60: {  	_ =	shalt  }
0x61: {  	_ =	shalt  }
0x62: {  	_ =	shalt  }
0x63: {  	_ =	shalt  }
0x64: {  	_ =	shalt  }
0x65: {  	_ =	shalt  }
0x66: {  	_ =	shalt  }
0x67: {  	_ =	shalt  }
0x68: {  	_ =	shalt  }
0x69: {  	_ =	shalt  }
0x6a: {  	_ =	shalt  }
0x6b: {  	_ =	shalt  }
0x6c: {  	_ =	shalt  }
0x6d: {  	_ =	shalt  }
0x6e: {  	_ =	shalt  }
0x6f: {  	_ =	shalt  }
0x70: {  	_ =	shalt  }
0x71: {  	_ =	shalt  }
0x72: {  	_ =	shalt  }
0x73: {  	_ =	shalt  }
0x74: {  	_ =	shalt  }
0x75: {  	_ =	shalt  }
0x76: {  	_ =	shalt  }
0x77: {  	_ =	shalt  }
0x78: {  	_ =	shalt  }
0x79: {  	_ =	shalt  }
0x7a: {  	_ =	shalt  }
0x7b: {  	_ =	shalt  }
0x7c: {  	_ =	shalt  }
0x7d: {  	_ =	shalt  }
0x7e: {  	_ =	shalt  }
0x7f: {  	_ =	shalt  }
0x80: {  	_ =	shalt  }
0x81: {  	_ =	shalt  }
0x82: {  	_ =	shalt  }
0x83: {  	_ =	shalt  }
0x84: {  	_ =	shalt  }
0x85: {  	_ =	shalt  }
0x86: {  	_ =	shalt  }
0x87: {  	_ =	shalt  }
.Lfunc_end0:
.L_simem_size_0:
called_computation.2_lowered:
.L_overlay_start_0:
0x88: {  	s2 =	sld [smem:$0x3FD9]  }
0x89: {  	s3 =	sld [smem:$0x3FFE];
	_ =	sdelay $0x1  }
0x8a: {  	s1 =	srdreg.scid  }
0x8b: {  	s0 =	sand.u32 $0x1, s1  }
0x8c: {  	s17 =	sshll.u32 s0, $0xA;
	s2 =	sadd.s32 s3, s2  }
0x8d: {  	s2 =	sadd.s32 s2, s17  }
0x8e: {  	[smem:$0x3FC0] =	sst s2  }
0x8f: {  	_ = 	snop  }
0x90: {  	s2 =	sld [smem:$0x3FD0];
	(tm) =	ssettm $0x1  }
0x91: {  	s18 =	sld [smem:$0x3FFB];
	_ =	sdelay $0x3  }
0x92: {  	_ =	strace s18  }
0x93: {  	s3 =	sld [smem:$0x3FFC];
	_ =	sdelay $0x3  }
0x94: {  	_ =	strace s3  }
0x95: {  	s3 =	sld [smem:$0x3FFD];
	_ =	sdelay $0x3  }
0x96: {  	_ =	strace s3  }
0x97: {  	_ =	strace $0x8FFFFFFF  }
0x98: {  	s19 =	sld [smem:$0x3FDB];
	_ =	sdelay $0x1  }
0x99: {  	s4 =	simm.s32 $_scs_section_size  }
0x9a: {  	s5 =	simm.s32 $_size__tile_overlayer_lowered;
	s6 =	simm.s32 $_tile_overlayer_lowered  }
0x9b: {  	s22 =	simm.s32 $0x1BFF;
	s21 =	sshll.u32 s6, $0x1;
	s3 =	sadd.s32 s4, s19  }
0x9c: {  	s7 =	simm.s32 $0x0;
	s20 =	sshll.u32 s5, $0x1;
	s5 =	sadd.s32 s21, s3  }
0x9d: {  	[timem:s7], [sflag:s22] =	dma.local [hbm:s5], s20  }
0x9e: {  	_ =	swait.ge [sflag:s22], s20  }
0x9f: {  	s4 =	ssub.s32 $0x0, s20;
	[sflag:s22] =	ssyncset.done $0x0  }
0xa0: {  	[sflag:s22] =	ssyncadd.s32 s4;
	_ =	sdelay $0x1  }
0xa1: {  	s23 =	simm.s32 $0x1B8B  }
0xa2: {  	_ =	swait.ge [sflag:s23], $0x1  }
0xa3: {  	[sflag:s23] =	ssyncset.done $0x0  }
0xa4: {  	s25 =	simm.s32 $0x1B8E;
	s24 =	sld [smem:$0x3FFE];
	[sflag:s23] =	ssyncadd.s32 $0xFFFFFFFF  }
0xa5: {  	s26 =	simm.s32 $execute0_lowered;
	[smem:$0x3FD2] =	sst s25  }
0xa6: {  	s5 =	sshll.u32 s26, $0x1;
	_ =	strace $0x8000004C;
	[dreg:$0x1] =	wrdreg $0xFFFFFFFF  }
0xa7: {  	s28 =	simm.s32 $_size_execute0_lowered;
	s3 =	sadd.s32 s3, s5;
	[dreg:$0x0] =	wrdreg $0x0  }
0xa8: {  	s5 =	sshll.u32 s28, $0x1;
	[dreg:$0x2] =	wrdreg s3  }
0xa9: {  	[dreg:$0x3] =	wrdreg s5  }
0xaa: {  	[dreg:$0x4] =	wrdreg $0xC0  }
0xab: {  	_ =	task [dreg:s7], $0x5FFFF  }
0xac: {  	[dreg:$0x1] =	wrdreg $0xFFFFFFFF  }
0xad: {  	[dreg:$0x0] =	wrdreg $0x60  }
0xae: {  	[dreg:$0x2] =	wrdreg s24  }
0xaf: {  	[dreg:$0x3] =	wrdreg s2  }
0xb0: {  	[dreg:$0x4] =	wrdreg $0x41000  }
0xb1: {  	[dreg:$0x5] =	wrdreg $0x9  }
0xb2: {  	_ =	task.clear_ibuf [dreg:s7], $0x6FFFF;
	_ =	strace $0x9000004C  }
0xb3: {  	s29 =	simm.s32 $0x9;
	_ =	strace $0x8000004E  }
0xb4: {  	_ =	swait.ge [sflag:s29], $0x1  }
0xb5: {  	[sflag:s29] =	ssyncadd.s32 $0xFFFFFFFF  }
0xb6: {  	_ =	strace $0x9000004E  }
0xb7: {  	_ =	sfence  }
0xb8: {  	s30 =	sld [smem:$0x0];
	_ =	sdelay $0x2  }
0xb9: {  	s31 =	sshll.u32 s1, $0xD;
	s1 =	sshrl.u32 s1, $0x2  }
0xba: {  	s3 =	sand.u32 $0x4000, s31;
	s1 =	sadd.s32 s1, s30  }
0xbb: {  	s0 =	sor.u32 s3, s0;
	s1 =	sshll.u32 s1, $0x11  }
0xbc: {  	s0 =	sor.u32 s1, s0  }
0xbd: {  	s0 =	sadd.s32 $0x8F2B, s0  }
0xbe: {  	[sflag:s0] =	ssyncadd.remote.s32 $0x1  }
0xbf: {  	_ =	sfence.sel $0xFFFF  }
0xc0: {  	[dreg:$0x0] =	wrdreg $0xFFFFFFFF;
	(pc) =	sbr.abs _section_cstart, $3  }
0xc1: {  	[dreg:$0x1] =	wrdreg $0xFFFFFFFF  }
0xc2: {  	_ =	task.clear_ibuf [dreg:s7], $0x2FFFF;
	_ =	strace $0x9FFFFFFF  }
0xc3: {  	(tm) =	ssettm $0x7FFFFFFF  }
tec
execute0_lowered:
.L_overlay_start_1:
0x0: {  	(tag) =	ssettag $0x1  }
0x1: {  	s7 =	rddreg [dreg:$0x0]  }
0x2: {  	s1 =	rddreg [dreg:$0x1]  }
0x3: {  	s2 =	rddreg [dreg:$0x2]  }
0x4: {  	s0 =	rddreg [dreg:$0x3];
	s3 =	simm.s32 $0x0  }
0x5: {  	s6 =	srdreg.scid;
	s11 =	stileid.u32;
	s13 =	simm.s32 $0x100  }
0x6: {  	s14 =	simm.s32 $0x0;
	[smem:$0x7FF] =	sst s3;
	s4 =	sadd.s32 $0x84E00, s7  }
0x7: {  	s5 =	sadd.s32 $0x7AE00, s7;
	s8 =	sand.u32 $0x1, s6;
	s6 =	sadd.s32 $0x2E00, s7  }
0x8: {  	p0 =	sne.s32 s11, $0x0;
	s9 =	smul.u32 $0x28000, s8;
	s10 =	ssub.s32 $0x2, s8  }
0x9: {  	_ =	strace $0x8000004D;
	s8 =	sshll.u32 s8, $0x4;
	s12 =	sshrl.u32 s10, $0x1  }
0xa: {  	s31 =	sor.u32 s11, s8;
	s11 =	simm.s32 $0x1;
	s9 =	sadd.s32 s9, s7  }
0xb: {  	s10 =	ssub.s32 s10, s12;
	s7 =	smul.u32 $0x2800, s31;
	s12 =	simm.s32 $0x80  }
0xc: {  	s8 =	sadd.s32 $0xACE00, s9;
	s9 =	smax.u32 s10, $0x1;
	s10 =	sshrl.u32 @!p0 s2, $0x3  }
.LBB2_1:
0xd: {  	s15 =	simm.s32 @!p0 $0x1C01  }
0xe: {  	[spmem:s10], [sflag:s15] =	dma.local @!p0 [hbm:s6], $0x28000  }
0xf: {  	s16 =	sand.u32 $0x3C00, s3;
	s15 =	simm.s32 @!p0 $0x1  }
0x10: {  	s17 =	sand.u32 $0x380, s3;
	s16 =	sadd.s32 s7, s16;
	_ =	swait.ge @!p0 [sflag:s15], $0x28000  }
0x11: {  	s16 =	sor.u32 s17, s16;
	[sflag:s15] =	ssyncset.done @!p0 $0x0  }
0x12: {  	s28 =	sshrl.u32 s16, $0x3;
	[sflag:s15] =	ssyncadd.s32 @!p0 $0xFFFD8000  }
0x13: {  	s16 =	sadd.s32 s5, s28;
	[bflag:$0x0] =	sbarrier.arrive $0xFFFF  }
0x14: {  	[tilespmem:s3], [sflag:$0x1] =	stream.linear.gather [hbm4b:s16+s3], $0x80, $0x38;
	[tilespmem:$0x18100] =	vst v63  }
0x15: {  	_ =	swait.ge [sflag:s11], $0x80  }
0x16: {  	[sflag:s11] =	ssyncset.done $0x0  }
0x17: {  	[sflag:s11] =	ssyncadd.s32 $0xFFFFFF80  }
0x18: {  	[tilespmem:s13], [sflag:$0x1] =	stream.indirect.gather [hbm4b:s4+s12], $0x80, s3, s12, $0xb8;
	[tilespmem:$0x18100] =	vst v63  }
0x19: {  	_ =	swait.ge [sflag:s11], $0x4000  }
0x1a: {  	[sflag:s11] =	ssyncset.done $0x0  }
0x1b: {  	s15 =	sadd.s32 s1, s28;
	[sflag:s11] =	ssyncadd.s32 $0xFFFFC000  }
0x1c: {  	[tilespmem:s12], [sflag:$0x1] =	stream.linear.gather [hbm4b:s15+s3], $0x80, $0x38;
	[tilespmem:$0x18100] =	vst v63  }
0x1d: {  	_ =	swait.ge [sflag:s11], $0x80  }
0x1e: {  	s29 =	simm.s32 $0x80;
	[sflag:s11] =	ssyncset.done $0x0  }
0x1f: {  	s30 =	sand.u32 $0x3C00, s29;
	[sflag:s11] =	ssyncadd.s32 $0xFFFFFF80  }
0x20: {  	[spmem:s2] =	stream.indirect.scatter.add.f32 [tilespmem:s13], [sflag:$0x1], $0x80, s12, s12, $0xb8;
	[tilespmem:$0x18100] =	vst v63  }
0x21: {  	s31 =	sand.u32 $0x380, s29;
	s16 =	sadd.s32 s7, s30;
	_ =	swait.ge [sflag:s11], $0x4000  }
0x22: {  	s16 =	sor.u32 s31, s16;
	s15 =	simm.s32 $0x100;
	[sflag:s11] =	ssyncset.done $0x0  }
.LBB2_2:
0x23: {  	s16 =	sshrl.u32 s16, $0x3  }
0x24: {  	[sflag:s11] =	ssyncadd.s32 $0xFFFFC000;
	s17 =	smov.u32 s15;
	s18 =	sadd.s32 $0x80, s15  }
0x25: {  	p1 =	sne.s32 s15, $0x2700;
	s15 =	sadd.s32 s5, s16  }
0x26: {  	[tilespmem:s3], [sflag:$0x1] =	stream.linear.gather [hbm4b:s15+s3], $0x80, $0x38;
	[tilespmem:$0x18100] =	vst v63  }
0x27: {  	_ =	swait.ge [sflag:s11], $0x80  }
0x28: {  	[sflag:s11] =	ssyncset.done $0x0  }
0x29: {  	[sflag:s11] =	ssyncadd.s32 $0xFFFFFF80  }
0x2a: {  	[tilespmem:s13], [sflag:$0x1] =	stream.indirect.gather [hbm4b:s4+s12], $0x80, s3, s12, $0xb8;
	[tilespmem:$0x18100] =	vst v63  }
0x2b: {  	_ =	swait.ge [sflag:s11], $0x4000  }
0x2c: {  	[sflag:s11] =	ssyncset.done $0x0  }
0x2d: {  	s15 =	sadd.s32 s1, s16;
	[sflag:s11] =	ssyncadd.s32 $0xFFFFC000  }
0x2e: {  	[tilespmem:s12], [sflag:$0x1] =	stream.linear.gather [hbm4b:s15+s3], $0x80, $0x38;
	[tilespmem:$0x18100] =	vst v63  }
0x2f: {  	_ =	swait.ge [sflag:s11], $0x80  }
.Ltmp0:
0x30: {  	[sflag:s11] =	ssyncset.done $0x0;
	(pc) =	sbr.rel @p1 .LBB2_2-.Ltmp0, $4  }
0x31: {  	s15 =	sand.u32 $0x3C00, s17;
	[sflag:s11] =	ssyncadd.s32 $0xFFFFFF80  }
0x32: {  	[spmem:s2] =	stream.indirect.scatter.add.f32 [tilespmem:s13], [sflag:$0x1], $0x80, s12, s12, $0xb8;
	[tilespmem:$0x18100] =	vst v63  }
0x33: {  	s16 =	sand.u32 $0x380, s17;
	s15 =	sadd.s32 s7, s15;
	_ =	swait.ge [sflag:s11], $0x4000  }
0x34: {  	s16 =	sor.u32 s16, s15;
	s15 =	smov.u32 s18;
	[sflag:s11] =	ssyncset.done $0x0  }
0x35: {  	s15 =	sshrl.u32 s16, $0x3  }
0x36: {  	[sflag:s11] =	ssyncadd.s32 $0xFFFFC000;
	s16 =	sadd.s32 s5, s15  }
0x37: {  	[tilespmem:s3], [sflag:$0x1] =	stream.linear.gather [hbm4b:s16+s3], $0x80, $0x38;
	[tilespmem:$0x18100] =	vst v63  }
0x38: {  	_ =	swait.ge [sflag:s11], $0x80  }
0x39: {  	[sflag:s11] =	ssyncset.done $0x0  }
0x3a: {  	[sflag:s11] =	ssyncadd.s32 $0xFFFFFF80  }
0x3b: {  	[tilespmem:s13], [sflag:$0x1] =	stream.indirect.gather [hbm4b:s4+s12], $0x80, s3, s12, $0xb8;
	[tilespmem:$0x18100] =	vst v63  }
0x3c: {  	_ =	swait.ge [sflag:s11], $0x4000  }
0x3d: {  	[sflag:s11] =	ssyncset.done $0x0  }
0x3e: {  	s15 =	sadd.s32 s1, s15;
	[sflag:s11] =	ssyncadd.s32 $0xFFFFC000  }
0x3f: {  	[tilespmem:s12], [sflag:$0x1] =	stream.linear.gather [hbm4b:s15+s3], $0x80, $0x38;
	[tilespmem:$0x18100] =	vst v63  }
0x40: {  	_ =	swait.ge [sflag:s11], $0x80  }
0x41: {  	[sflag:s11] =	ssyncset.done $0x0  }
0x42: {  	[sflag:s11] =	ssyncadd.s32 $0xFFFFFF80  }
0x43: {  	[spmem:s2] =	stream.indirect.scatter.add.f32 [tilespmem:s13], [sflag:$0x1], $0x80, s12, s12, $0xb8;
	[tilespmem:$0x18100] =	vst v63  }
0x44: {  	_ =	swait.ge [sflag:s11], $0x4000  }
0x45: {  	[sflag:s11] =	ssyncset.done $0x0  }
0x46: {  	s14 =	sadd.s32 $0x1, s14;
	[sflag:s11] =	ssyncadd.s32 $0xFFFFC000  }
0x47: {  	p1 =	sne.s32 s14, s9;
	s15 =	simm.s32 @!p0 $0x1C01;
	[bflag:$0x0] =	sbarrier.arrive $0xFFFF  }
0x48: {  	[hbm:s8], [sflag:s15] =	dma.local @!p0 [spmem:s10], $0x28000  }
.Ltmp1:
0x49: {  	_ = 	snop;
	(pc) =	sbr.rel @p1 .LBB2_1-.Ltmp1, $4  }
0x4a: {  	s15 =	simm.s32 @!p0 $0x1  }
0x4b: {  	_ =	swait.ge @!p0 [sflag:s15], $0x28000  }
0x4c: {  	[sflag:s15] =	ssyncset.done @!p0 $0x0  }
0x4d: {  	[sflag:s15] =	ssyncadd.s32 @!p0 $0xFFFD8000  }
0x4e: {  	_ =	sfence.sel $0x180000  }
0x4f: {  	[bflag:$0x0] =	sbarrier.arrive $0xFFFF  }
0x50: {  	_ =	strace $0x9000004D  }
0x51: {  	s0 =	sadd.s32 @!p0 $0x100000, s0;
	[bflag:$0x2] =	sbarrier.arrive $0xFFFF  }
0x52: {  	[sflag:s0] =	ssyncadd.tile.s32 @!p0 $0x1;
	_ =	shalt  }
.Lfunc_end2:
_tile_overlayer_lowered:
.L_overlay_start_2:
0x53: {  	(tag) =	ssettag $0x2  }
0x54: {  	s0 =	rddreg [dreg:$0x0];
	s2 =	stileid.u32  }
0x55: {  	s1 =	rddreg [dreg:$0x1];
	p0 =	sne.s32 s2, $0x0  }
0x56: {  	s3 =	rddreg [dreg:$0x2];
	[bflag:$0x3] =	sbarrier.arrive $0xFFFF;
	s2 =	simm.s32 @!p0 $0x1C01  }
0x57: {  	[timem:s3], [sflag:s2] =	dma.local @!p0 [hbm:s0], s1  }
0x58: {  	s0 =	simm.s32 @!p0 $0x1  }
0x59: {  	_ =	swait.ge @!p0 [sflag:s0], s1  }
0x5a: {  	s1 =	ssub.s32 @!p0 $0x0, s1;
	[sflag:s0] =	ssyncset.done @!p0 $0x0  }
0x5b: {  	[sflag:s0] =	ssyncadd.s32 @!p0 s1  }
0x5c: {  	[bflag:$0x3] =	sbarrier.arrive $0xFFFF  }
0x5d: {  	_ =	shalt  }

// kernel: kernel.8.cloned.1.call-start
scs
__scs_entry_jumppad:
0x0: {  	(pc) =	sbr.rel $0x88, $3  }
0x1: {  	(tag) =	ssettag $0x0;
	lr =	simm.s32 $0x1  }
0x2: {  	[smem:$0x3F99] =	sst lr;
	_ =	strace $0xD0000000  }
0x3: {  	_ = 	snop  }
0x4: {  	_ = 	snop  }
0x5: {  	_ = 	snop  }
0x6: {  	_ = 	snop  }
0x7: {  	_ = 	snop  }
__scs_overlays_trampoline_lowered:
0x8: {  	[smem:$0x3FA8] =	sst s0  }
0x9: {  	[smem:$0x3FA9] =	sst s1  }
0xa: {  	[smem:$0x3FAA] =	sst s2  }
0xb: {  	[smem:$0x3FAB] =	sst s3  }
0xc: {  	[smem:$0x3FAC] =	sst s4  }
0xd: {  	[smem:$0x3FAD] =	sst s5  }
0xe: {  	[smem:$0x3FAE] =	sst s6  }
0xf: {  	[smem:$0x3FAF] =	sst s7  }
0x10: {  	[smem:$0x3FB0] =	sst s8  }
0x11: {  	[smem:$0x3FB1] =	sst s9;
	s0 =	simm.s32 @!p0 $0x0  }
0x12: {  	s1 =	sld [smem:$0x3F97];
	s0 =	simm.s32 @p0 $0x1  }
0x13: {  	[smem:$0x3FB2] =	sst s0;
	s0 =	simm.s32 @!p1 $0x0  }
0x14: {  	s2 =	sld [smem:$0x3F96];
	s0 =	simm.s32 @p1 $0x1  }
0x15: {  	[smem:$0x3FB3] =	sst s0;
	s0 =	simm.s32 @!p2 $0x0  }
0x16: {  	s3 =	sld [smem:$0x3FDB];
	s0 =	simm.s32 @p2 $0x1  }
0x17: {  	s4 =	simm.s32 $0x1BF5;
	[smem:$0x3FB5] =	sst s0  }
0x18: {  	s0 =	sld [smem:$0x3F98];
	_ =	swait.ge [sflag:s4], $0x0  }
0x19: {  	s7 =	sld [smem:$0x3F99]  }
0x1a: {  	s8 =	sadd.s32 $0xFFFFE003, lr  }
0x1b: {  	s9 =	sadd.s32 $0xFFFFFEF7, lr;
	s5 =	simm.s32 $0xFFFFFFFF;
	p2 =	slt.u32 s8, $0xFFFFF086  }
0x1c: {  	p1 =	slt.u32 s9, $0xF7A;
	s5 =	simm.s32 @!p2 $0x0  }
0x1d: {  	s5 =	simm.s32 @p1 $0x1;
	p0 =	seq.s32 s7, s2  }
0x1e: {  	s7 =	smul.u32 @!p0 $0xF7A, s2;
	p2 =	seq.s32 @!p0 s5, $0x0  }
0x1f: {  	s9 =	smul.u32 $0xF7A, s1;
	s8 =	simm.s32 @!p0 $0x1BF5;
	p2 =	por !p2, p0  }
0x20: {  	[sflag:s8] =	ssyncset.s32 @!p0 $0xFFFFF086;
	s6 =	sadd.s32 @!p0 s3, s7;
	s7 =	simm.s32 @!p0 $0x108  }
0x21: {  	s3 =	sadd.s32 s3, s9;
	s6 =	sadd.s32 @!p0 $0x88, s6;
	s7 =	simm.s32 @p2 $0x1082  }
0x22: {  	[simem:s7], [sflag:s8] =	dma.local @!p0 [hbm:s6], $0xF7A  }
0x23: {  	s9 =	sor.u32 $0xD0000000, s2;
	s6 =	simm.s32 $0x108;
	_ =	swait.ge @!p0 [sflag:s8], $0x0  }
0x24: {  	s3 =	sadd.s32 $0x88, s3;
	s6 =	simm.s32 @!p1 $0x1082;
	[sflag:s4] =	ssyncset.s32 $0xFFFFF086  }
0x25: {  	[simem:s6], [sflag:s4] =	dma.local [hbm:s3], $0xF7A  }
0x26: {  	[smem:$0x3F99] =	sst s1;
	(tag) =	ssettag s2;
	_ =	strace s9  }
0x27: {  	s1 =	sld [smem:$0x3FA9]  }
0x28: {  	s2 =	sld [smem:$0x3FAA]  }
0x29: {  	s4 =	sld [smem:$0x3FAC]  }
0x2a: {  	p0 =	seq.s32 s5, $0x0;
	s5 =	sld [smem:$0x3FAD]  }
0x2b: {  	s6 =	sld [smem:$0x3FAE]  }
0x2c: {  	s7 =	sld [smem:$0x3FAF]  }
0x2d: {  	s3 =	simm.s32 $0x108;
	s8 =	sld [smem:$0x3FB0]  }
0x2e: {  	s3 =	simm.s32 @!p0 $0x1082;
	s9 =	sld [smem:$0x3FB1]  }
0x2f: {  	lr =	sadd.s32 s0, s3;
	s0 =	sld [smem:$0x3FA8]  }
0x30: {  	s3 =	sld [smem:$0x3FAB]  }
0x31: {  	[smem:$0x3FB4] =	sst s10  }
0x32: {  	s10 =	sld [smem:$0x3FB2];
	_ =	sdelay $0x3  }
0x33: {  	p0 =	seq.s32 s10, $0x1;
	s10 =	sld [smem:$0x3FB4];
	_ =	sdelay $0x3  }
0x34: {  	[smem:$0x3FB4] =	sst s10  }
0x35: {  	s10 =	sld [smem:$0x3FB3];
	_ =	sdelay $0x3  }
0x36: {  	p1 =	seq.s32 s10, $0x1;
	s10 =	sld [smem:$0x3FB4];
	_ =	sdelay $0x3  }
0x37: {  	[smem:$0x3FB4] =	sst s10  }
0x38: {  	s10 =	sld [smem:$0x3FB5]  }
0x39: {  	_ = 	snop;
	(pc) =	sbr.ind lr, $3  }
0x3a: {  	_ = 	snop  }
0x3b: {  	_ = 	snop  }
0x3c: {  	p2 =	seq.s32 s10, $0x1;
	s10 =	sld [smem:$0x3FB4]  }
0x3d: {  	_ =	shalt  }
0x3e: {  	_ =	shalt  }
0x3f: {  	_ =	shalt  }
0x40: {  	_ =	shalt  }
0x41: {  	_ =	shalt  }
0x42: {  	_ =	shalt  }
0x43: {  	_ =	shalt  }
0x44: {  	_ =	shalt  }
0x45: {  	_ =	shalt  }
0x46: {  	_ =	shalt  }
0x47: {  	_ =	shalt  }
0x48: {  	_ =	shalt  }
0x49: {  	_ =	shalt  }
0x4a: {  	_ =	shalt  }
0x4b: {  	_ =	shalt  }
0x4c: {  	_ =	shalt  }
0x4d: {  	_ =	shalt  }
0x4e: {  	_ =	shalt  }
0x4f: {  	_ =	shalt  }
0x50: {  	_ =	shalt  }
0x51: {  	_ =	shalt  }
0x52: {  	_ =	shalt  }
0x53: {  	_ =	shalt  }
0x54: {  	_ =	shalt  }
0x55: {  	_ =	shalt  }
0x56: {  	_ =	shalt  }
0x57: {  	_ =	shalt  }
0x58: {  	_ =	shalt  }
0x59: {  	_ =	shalt  }
0x5a: {  	_ =	shalt  }
0x5b: {  	_ =	shalt  }
0x5c: {  	_ =	shalt  }
0x5d: {  	_ =	shalt  }
0x5e: {  	_ =	shalt  }
0x5f: {  	_ =	shalt  }
0x60: {  	_ =	shalt  }
0x61: {  	_ =	shalt  }
0x62: {  	_ =	shalt  }
0x63: {  	_ =	shalt  }
0x64: {  	_ =	shalt  }
0x65: {  	_ =	shalt  }
0x66: {  	_ =	shalt  }
0x67: {  	_ =	shalt  }
0x68: {  	_ =	shalt  }
0x69: {  	_ =	shalt  }
0x6a: {  	_ =	shalt  }
0x6b: {  	_ =	shalt  }
0x6c: {  	_ =	shalt  }
0x6d: {  	_ =	shalt  }
0x6e: {  	_ =	shalt  }
0x6f: {  	_ =	shalt  }
0x70: {  	_ =	shalt  }
0x71: {  	_ =	shalt  }
0x72: {  	_ =	shalt  }
0x73: {  	_ =	shalt  }
0x74: {  	_ =	shalt  }
0x75: {  	_ =	shalt  }
0x76: {  	_ =	shalt  }
0x77: {  	_ =	shalt  }
0x78: {  	_ =	shalt  }
0x79: {  	_ =	shalt  }
0x7a: {  	_ =	shalt  }
0x7b: {  	_ =	shalt  }
0x7c: {  	_ =	shalt  }
0x7d: {  	_ =	shalt  }
0x7e: {  	_ =	shalt  }
0x7f: {  	_ =	shalt  }
0x80: {  	_ =	shalt  }
0x81: {  	_ =	shalt  }
0x82: {  	_ =	shalt  }
0x83: {  	_ =	shalt  }
0x84: {  	_ =	shalt  }
0x85: {  	_ =	shalt  }
0x86: {  	_ =	shalt  }
0x87: {  	_ =	shalt  }
.Lfunc_end0:
.L_simem_size_0:
called_computation_lowered:
.L_overlay_start_0:
0x88: {  	s2 =	sld [smem:$0x3FD9]  }
0x89: {  	s3 =	sld [smem:$0x3FFE];
	_ =	sdelay $0x1  }
0x8a: {  	s1 =	srdreg.scid  }
0x8b: {  	s0 =	sand.u32 $0x1, s1  }
0x8c: {  	s17 =	sshll.u32 s0, $0xA;
	s2 =	sadd.s32 s3, s2  }
0x8d: {  	s2 =	sadd.s32 s2, s17  }
0x8e: {  	[smem:$0x3FC0] =	sst s2  }
0x8f: {  	_ = 	snop  }
0x90: {  	s2 =	sld [smem:$0x3FD0];
	(tm) =	ssettm $0x1  }
0x91: {  	s18 =	sld [smem:$0x3FFB];
	_ =	sdelay $0x3  }
0x92: {  	_ =	strace s18  }
0x93: {  	s3 =	sld [smem:$0x3FFC];
	_ =	sdelay $0x3  }
0x94: {  	_ =	strace s3  }
0x95: {  	s3 =	sld [smem:$0x3FFD];
	_ =	sdelay $0x3  }
0x96: {  	_ =	strace s3  }
0x97: {  	_ =	strace $0x8FFFFFFF  }
0x98: {  	s19 =	sld [smem:$0x3FDB];
	_ =	sdelay $0x1  }
0x99: {  	s4 =	simm.s32 $_scs_section_size  }
0x9a: {  	s5 =	simm.s32 $_size__tile_overlayer_lowered;
	s6 =	simm.s32 $_tile_overlayer_lowered  }
0x9b: {  	s22 =	simm.s32 $0x1BFF;
	s21 =	sshll.u32 s6, $0x1;
	s3 =	sadd.s32 s4, s19  }
0x9c: {  	s7 =	simm.s32 $0x0;
	s20 =	sshll.u32 s5, $0x1;
	s5 =	sadd.s32 s21, s3  }
0x9d: {  	[timem:s7], [sflag:s22] =	dma.local [hbm:s5], s20  }
0x9e: {  	_ =	swait.ge [sflag:s22], s20  }
0x9f: {  	s4 =	ssub.s32 $0x0, s20;
	[sflag:s22] =	ssyncset.done $0x0  }
0xa0: {  	[sflag:s22] =	ssyncadd.s32 s4;
	_ =	sdelay $0x1  }
0xa1: {  	s23 =	simm.s32 $0x1B8B  }
0xa2: {  	_ =	swait.ge [sflag:s23], $0x1  }
0xa3: {  	[sflag:s23] =	ssyncset.done $0x0  }
0xa4: {  	s25 =	simm.s32 $0x1B8E;
	s24 =	sld [smem:$0x3FFE];
	[sflag:s23] =	ssyncadd.s32 $0xFFFFFFFF  }
0xa5: {  	s26 =	simm.s32 $execute0_lowered;
	[smem:$0x3FD2] =	sst s25  }
0xa6: {  	s5 =	sshll.u32 s26, $0x1;
	_ =	strace $0x80000046;
	[dreg:$0x1] =	wrdreg $0xFFFFFFFF  }
0xa7: {  	s28 =	simm.s32 $_size_execute0_lowered;
	s3 =	sadd.s32 s3, s5;
	[dreg:$0x0] =	wrdreg $0x0  }
0xa8: {  	s5 =	sshll.u32 s28, $0x1;
	[dreg:$0x2] =	wrdreg s3  }
0xa9: {  	[dreg:$0x3] =	wrdreg s5  }
0xaa: {  	[dreg:$0x4] =	wrdreg $0xC0  }
0xab: {  	_ =	task [dreg:s7], $0x5FFFF  }
0xac: {  	[dreg:$0x1] =	wrdreg $0xFFFFFFFF  }
0xad: {  	[dreg:$0x0] =	wrdreg $0x60  }
0xae: {  	[dreg:$0x2] =	wrdreg s2  }
0xaf: {  	[dreg:$0x3] =	wrdreg s24  }
0xb0: {  	[dreg:$0x4] =	wrdreg $0x40800  }
0xb1: {  	[dreg:$0x5] =	wrdreg $0x9  }
0xb2: {  	_ =	task.clear_ibuf [dreg:s7], $0x6FFFF;
	_ =	strace $0x90000046  }
0xb3: {  	s29 =	simm.s32 $0x9;
	_ =	strace $0x80000048  }
0xb4: {  	_ =	swait.ge [sflag:s29], $0x1  }
0xb5: {  	[sflag:s29] =	ssyncadd.s32 $0xFFFFFFFF  }
0xb6: {  	_ =	strace $0x90000048  }
0xb7: {  	_ =	sfence  }
0xb8: {  	s30 =	sld [smem:$0x0];
	_ =	sdelay $0x2  }
0xb9: {  	s31 =	sshll.u32 s1, $0xD;
	s1 =	sshrl.u32 s1, $0x2  }
0xba: {  	s3 =	sand.u32 $0x4000, s31;
	s1 =	sadd.s32 s1, s30  }
0xbb: {  	s0 =	sor.u32 s3, s0;
	s1 =	sshll.u32 s1, $0x11  }
0xbc: {  	s0 =	sor.u32 s1, s0  }
0xbd: {  	s0 =	sadd.s32 $0x8F2B, s0  }
0xbe: {  	[sflag:s0] =	ssyncadd.remote.s32 $0x1  }
0xbf: {  	_ =	sfence.sel $0xFFFF  }
0xc0: {  	[dreg:$0x0] =	wrdreg $0xFFFFFFFF;
	(pc) =	sbr.abs _section_cstart, $3  }
0xc1: {  	[dreg:$0x1] =	wrdreg $0xFFFFFFFF  }
0xc2: {  	_ =	task.clear_ibuf [dreg:s7], $0x2FFFF;
	_ =	strace $0x9FFFFFFF  }
0xc3: {  	(tm) =	ssettm $0x7FFFFFFF  }
tec
execute0_lowered:
.L_overlay_start_1:
0x0: {  	(tag) =	ssettag $0x1  }
0x1: {  	s1 =	rddreg [dreg:$0x0]  }
0x2: {  	s6 =	rddreg [dreg:$0x1]  }
0x3: {  	s2 =	rddreg [dreg:$0x2]  }
0x4: {  	s0 =	rddreg [dreg:$0x3];
	s3 =	simm.s32 $0x0;
	s4 =	srdreg.scid  }
0x5: {  	s9 =	stileid.u32;
	s12 =	simm.s32 $0x0;
	[smem:$0x7FF] =	sst s3  }
0x6: {  	s7 =	sand.u32 $0x1, s4;
	s4 =	sadd.s32 $0x2600, s6;
	s5 =	sadd.s32 $0x2E00, s6  }
0x7: {  	p0 =	sne.s32 s9, $0x0;
	_ =	strace $0x80000047;
	s8 =	smul.u32 $0x28000, s7  }
0x8: {  	s10 =	ssub.s32 $0x2, s7;
	s7 =	sshll.u32 s7, $0x4;
	s11 =	sshrl.u32 @!p0 s2, $0x3  }
0x9: {  	s31 =	sshrl.u32 s10, $0x1;
	s7 =	sor.u32 s9, s7;
	s9 =	simm.s32 $0x80  }
0xa: {  	s8 =	sadd.s32 s8, s6;
	s10 =	ssub.s32 s10, s31;
	s6 =	smul.u32 $0x2800, s7  }
0xb: {  	s7 =	sadd.s32 $0x2AE00, s8;
	s8 =	smax.u32 s10, $0x1;
	s10 =	simm.s32 $0x1  }
.LBB2_1:
0xc: {  	[tilespmem:s9], [sflag:$0x1] =	stream.linear.gather [hbm4b:s4+s3], $0x4000, $0x38;
	[tilespmem:$0x18080] =	vst v63  }
0xd: {  	_ =	swait.ge [sflag:s10], $0x4000  }
0xe: {  	[sflag:s10] =	ssyncset.done $0x0  }
0xf: {  	s13 =	simm.s32 @!p0 $0x1C01;
	[sflag:s10] =	ssyncadd.s32 $0xFFFFC000  }
0x10: {  	[spmem:s11], [sflag:s13] =	dma.local @!p0 [hbm:s5], $0x28000  }
0x11: {  	s14 =	sand.u32 $0x3C00, s3;
	s13 =	simm.s32 @!p0 $0x1  }
0x12: {  	s15 =	sand.u32 $0x380, s3;
	s14 =	sadd.s32 s6, s14;
	_ =	swait.ge @!p0 [sflag:s13], $0x28000  }
0x13: {  	s14 =	sor.u32 s15, s14;
	[sflag:s13] =	ssyncset.done @!p0 $0x0  }
0x14: {  	s28 =	sshrl.u32 s14, $0x3;
	[sflag:s13] =	ssyncadd.s32 @!p0 $0xFFFD8000  }
0x15: {  	s13 =	sadd.s32 s1, s28;
	[bflag:$0x0] =	sbarrier.arrive $0xFFFF  }
0x16: {  	[tilespmem:s3], [sflag:$0x1] =	stream.linear.gather [hbm4b:s13+s3], $0x80, $0x38;
	[tilespmem:$0x18080] =	vst v63  }
0x17: {  	_ =	swait.ge [sflag:s10], $0x80  }
0x18: {  	s29 =	simm.s32 $0x80;
	[sflag:s10] =	ssyncset.done $0x0  }
0x19: {  	s30 =	sand.u32 $0x3C00, s29;
	[sflag:s10] =	ssyncadd.s32 $0xFFFFFF80  }
0x1a: {  	[spmem:s2] =	stream.indirect.scatter.add.f32 [tilespmem:s9], [sflag:$0x1], $0x80, s3, s9, $0xb8;
	[tilespmem:$0x18080] =	vst v63  }
0x1b: {  	s31 =	sand.u32 $0x380, s29;
	s14 =	sadd.s32 s6, s30;
	_ =	swait.ge [sflag:s10], $0x4000  }
0x1c: {  	s14 =	sor.u32 s31, s14;
	s13 =	simm.s32 $0x100;
	[sflag:s10] =	ssyncset.done $0x0  }
.LBB2_2:
0x1d: {  	s14 =	sshrl.u32 s14, $0x3  }
0x1e: {  	[sflag:s10] =	ssyncadd.s32 $0xFFFFC000;
	s15 =	smov.u32 s13;
	s16 =	sadd.s32 $0x80, s13  }
0x1f: {  	p1 =	sne.s32 s13, $0x2700;
	s13 =	sadd.s32 s1, s14  }
0x20: {  	[tilespmem:s3], [sflag:$0x1] =	stream.linear.gather [hbm4b:s13+s3], $0x80, $0x38;
	[tilespmem:$0x18080] =	vst v63  }
0x21: {  	_ =	swait.ge [sflag:s10], $0x80  }
.Ltmp0:
0x22: {  	[sflag:s10] =	ssyncset.done $0x0;
	(pc) =	sbr.rel @p1 .LBB2_2-.Ltmp0, $4  }
0x23: {  	s13 =	sand.u32 $0x3C00, s15;
	[sflag:s10] =	ssyncadd.s32 $0xFFFFFF80  }
0x24: {  	[spmem:s2] =	stream.indirect.scatter.add.f32 [tilespmem:s9], [sflag:$0x1], $0x80, s3, s9, $0xb8;
	[tilespmem:$0x18080] =	vst v63  }
0x25: {  	s14 =	sand.u32 $0x380, s15;
	s13 =	sadd.s32 s6, s13;
	_ =	swait.ge [sflag:s10], $0x4000  }
0x26: {  	s14 =	sor.u32 s14, s13;
	s13 =	smov.u32 s16;
	[sflag:s10] =	ssyncset.done $0x0  }
0x27: {  	s13 =	sshrl.u32 s14, $0x3  }
0x28: {  	[sflag:s10] =	ssyncadd.s32 $0xFFFFC000;
	s13 =	sadd.s32 s1, s13  }
0x29: {  	[tilespmem:s3], [sflag:$0x1] =	stream.linear.gather [hbm4b:s13+s3], $0x80, $0x38;
	[tilespmem:$0x18080] =	vst v63  }
0x2a: {  	_ =	swait.ge [sflag:s10], $0x80  }
0x2b: {  	[sflag:s10] =	ssyncset.done $0x0  }
0x2c: {  	[sflag:s10] =	ssyncadd.s32 $0xFFFFFF80  }
0x2d: {  	[spmem:s2] =	stream.indirect.scatter.add.f32 [tilespmem:s9], [sflag:$0x1], $0x80, s3, s9, $0xb8;
	[tilespmem:$0x18080] =	vst v63  }
0x2e: {  	_ =	swait.ge [sflag:s10], $0x4000  }
0x2f: {  	[sflag:s10] =	ssyncset.done $0x0  }
0x30: {  	s12 =	sadd.s32 $0x1, s12;
	[sflag:s10] =	ssyncadd.s32 $0xFFFFC000  }
0x31: {  	p1 =	sne.s32 s12, s8;
	s13 =	simm.s32 @!p0 $0x1C01;
	[bflag:$0x0] =	sbarrier.arrive $0xFFFF  }
0x32: {  	[hbm:s7], [sflag:s13] =	dma.local @!p0 [spmem:s11], $0x28000  }
.Ltmp1:
0x33: {  	_ = 	snop;
	(pc) =	sbr.rel @p1 .LBB2_1-.Ltmp1, $4  }
0x34: {  	s13 =	simm.s32 @!p0 $0x1  }
0x35: {  	_ =	swait.ge @!p0 [sflag:s13], $0x28000  }
0x36: {  	[sflag:s13] =	ssyncset.done @!p0 $0x0  }
0x37: {  	[sflag:s13] =	ssyncadd.s32 @!p0 $0xFFFD8000  }
0x38: {  	_ =	sfence.sel $0x180000  }
0x39: {  	[bflag:$0x0] =	sbarrier.arrive $0xFFFF  }
0x3a: {  	_ =	strace $0x90000047  }
0x3b: {  	s0 =	sadd.s32 @!p0 $0x100000, s0;
	[bflag:$0x2] =	sbarrier.arrive $0xFFFF  }
0x3c: {  	[sflag:s0] =	ssyncadd.tile.s32 @!p0 $0x1;
	_ =	shalt  }
.Lfunc_end2:
_tile_overlayer_lowered:
.L_overlay_start_2:
0x3d: {  	(tag) =	ssettag $0x2  }
0x3e: {  	s0 =	rddreg [dreg:$0x0];
	s2 =	stileid.u32  }
0x3f: {  	s1 =	rddreg [dreg:$0x1];
	p0 =	sne.s32 s2, $0x0  }
0x40: {  	s3 =	rddreg [dreg:$0x2];
	[bflag:$0x3] =	sbarrier.arrive $0xFFFF;
	s2 =	simm.s32 @!p0 $0x1C01  }
0x41: {  	[timem:s3], [sflag:s2] =	dma.local @!p0 [hbm:s0], s1  }
0x42: {  	s0 =	simm.s32 @!p0 $0x1  }
0x43: {  	_ =	swait.ge @!p0 [sflag:s0], s1  }
0x44: {  	s1 =	ssub.s32 @!p0 $0x0, s1;
	[sflag:s0] =	ssyncset.done @!p0 $0x0  }
0x45: {  	[sflag:s0] =	ssyncadd.s32 @!p0 s1  }
0x46: {  	[bflag:$0x3] =	sbarrier.arrive $0xFFFF  }
0x47: {  	_ =	shalt  }

</sc_bundles>
